<compile_context>
chip_gen: v7x
topology: tpu7x:2x2x1
jax: 0.10.2.dev20260603
libtpu: 0.0.44.dev20260713+nightly
codegen_flags: <defaults>
</compile_context>

<pallas_src>
import functools
import jax
import jax.numpy as jnp
from jax import lax
from jax.experimental import pallas as pl
from jax.experimental.pallas import tpu as pltpu
from jax.experimental.pallas import tpu_sc as plsc

NC = 2
NS = 16
NW = NC * NS
CH = 128


def _cdiv(a, b):
    return (a + b - 1) // b



def _make_deg_kernel(n_pad, ept):
    nchunk = ept // CH
    rpt = n_pad // NS
    zc = rpt // CH
    mesh = plsc.VectorSubcoreMesh(
        core_axis_name="c", subcore_axis_name="s",
        num_cores=NC, num_subcores=NS)

    @functools.partial(
        pl.kernel,
        out_type=jax.ShapeDtypeStruct((NC, n_pad, 128), jnp.float32),
        mesh=mesh,
        scratch_types=[
            pltpu.VMEM((ept // CH, CH), jnp.int32),
            pltpu.VMEM((CH, 128), jnp.float32),
            pltpu.VMEM_SHARED((n_pad, 128), jnp.float32),
        ],
    )
    def deg_kernel(dst_hbm, out_hbm, dsts, ones_v, acc_s):
        cid = lax.axis_index("c")
        sid = lax.axis_index("s")
        wid = sid * NC + cid

        def fill(i, _):
            def lane(j, _):
                ones_v[i, pl.ds(j * 16, 16)] = jnp.zeros((16,), jnp.float32)
                return 0
            return lax.fori_loop(0, 8, lane, 0)
        lax.fori_loop(0, CH, fill, 0)

        def zinit(k, _):
            pltpu.sync_copy(ones_v, acc_s.at[pl.ds(sid * rpt + k * CH, CH)])
            return 0
        lax.fori_loop(0, zc, zinit, 0)

        def refill(i, _):
            def lane(j, _):
                ones_v[i, pl.ds(j * 16, 16)] = jnp.full((16,), 1.0,
                                                        jnp.float32)
                return 0
            return lax.fori_loop(0, 8, lane, 0)
        lax.fori_loop(0, CH, refill, 0)
        pltpu.sync_copy(dst_hbm.at[wid], dsts)
        plsc.subcore_barrier()

        def body(j, _):
            pltpu.sync_copy(ones_v, acc_s.at[dsts.at[j]], add=True)
            return 0
        lax.fori_loop(0, nchunk, body, 0)
        plsc.subcore_barrier()

        pltpu.sync_copy(acc_s.at[pl.ds(sid * rpt, rpt)],
                        out_hbm.at[cid, pl.ds(sid * rpt, rpt)])

    return deg_kernel


NB = 2
IBLK = 16


def _make_edge_kernel(n_pad, ept, f):
    nchunk = ept // CH
    nblk = nchunk // IBLK
    rpt = n_pad // NS
    zc = rpt // CH
    mesh = plsc.VectorSubcoreMesh(
        core_axis_name="c", subcore_axis_name="s",
        num_cores=NC, num_subcores=NS)

    @functools.partial(
        pl.kernel,
        out_type=jax.ShapeDtypeStruct((NC, n_pad, f), jnp.float32),
        mesh=mesh,
        scratch_types=[
            pltpu.VMEM((CH,), jnp.int32),
            pltpu.VMEM((CH,), jnp.int32),
            [pltpu.VMEM((CH, f), jnp.float32)] * NB,
            pltpu.VMEM_SHARED((n_pad, f), jnp.float32),
            [pltpu.SemaphoreType.DMA] * NB,
        ],
    )
    def edge_kernel(h_hbm, src_hbm, dst_hbm, out_hbm,
                    src_v, dst_v, rows, acc_s, sems):
        cid = lax.axis_index("c")
        sid = lax.axis_index("s")
        wid = sid * NC + cid

        def zrow(i, _):
            def zlane(j, _):
                rows[0][i, pl.ds(j * 16, 16)] = jnp.zeros((16,), jnp.float32)
                return 0
            return lax.fori_loop(0, f // 16, zlane, 0)
        lax.fori_loop(0, CH, zrow, 0)

        def zinit(k, _):
            pltpu.sync_copy(rows[0],
                            acc_s.at[pl.ds(sid * rpt + k * CH, CH)])
            return 0
        lax.fori_loop(0, zc, zinit, 0)
        plsc.subcore_barrier()

        def body(j, _):
            pltpu.sync_copy(src_hbm.at[wid, j], src_v)
            pltpu.sync_copy(dst_hbm.at[wid, j], dst_v)
            pltpu.async_copy(h_hbm.at[src_v], rows[0], sems[0]).wait()
            pltpu.sync_copy(rows[0], acc_s.at[dst_v], add=True)
            return 0
        lax.fori_loop(0, nchunk, body, 0)

        plsc.subcore_barrier()
        pltpu.sync_copy(acc_s.at[pl.ds(sid * rpt, rpt)],
                        out_hbm.at[cid, pl.ds(sid * rpt, rpt)])

    return edge_kernel



def _head_body(n, x_ref, deg_ref, w_ref, dinv_ref, hp_ref):
    deg = deg_ref[0, :n, :] + deg_ref[1, :n, :]
    dinv = lax.rsqrt(deg[:, 0:1] + 1.0)
    dinv_ref[...] = dinv
    h = jnp.dot(x_ref[...], w_ref[...], preferred_element_type=jnp.float32)
    hp_ref[...] = h * dinv


def _post_conv(n, acc_ref, hp_ref, dinv_ref, b_ref, g_ref, be_ref):
    dinv = dinv_ref[...]
    agg = acc_ref[0, :n, :] + acc_ref[1, :n, :] + hp_ref[...]
    z = agg * dinv + b_ref[...]
    mu = jnp.mean(z, axis=0, keepdims=True)
    var = jnp.mean((z - mu) * (z - mu), axis=0, keepdims=True)
    zb = g_ref[...] * (z - mu) * lax.rsqrt(var + 1e-5) + be_ref[...]
    return jnp.maximum(zb, 0.0)


def _mid_body(n, acc_ref, hp_ref, dinv_ref, b_ref, g_ref, be_ref, wn_ref,
              out_ref):
    zr = _post_conv(n, acc_ref, hp_ref, dinv_ref, b_ref, g_ref, be_ref)
    out_ref[...] = jnp.dot(
        zr, wn_ref[...], preferred_element_type=jnp.float32) * dinv_ref[...]


def _tail_body(n, nseg, acc_ref, hp_ref, dinv_ref, b_ref, g_ref, be_ref,
               batch_ref, fc1w_ref, fc1b_ref, fc2w_ref, fc2b_ref, out_ref):
    zr = _post_conv(n, acc_ref, hp_ref, dinv_ref, b_ref, g_ref, be_ref)
    seg = lax.broadcasted_iota(jnp.int32, (nseg, n), 0)
    onehot = jnp.where(seg == batch_ref[...], 1.0, 0.0)
    sums = jnp.dot(onehot, zr, preferred_element_type=jnp.float32)
    cnt = jnp.sum(onehot, axis=1, keepdims=True)
    pooled = sums / jnp.maximum(cnt, 1.0)
    h1 = jnp.maximum(
        jnp.dot(pooled, fc1w_ref[...], preferred_element_type=jnp.float32)
        + fc1b_ref[...], 0.0)
    out_ref[...] = jnp.dot(
        h1, fc2w_ref[...], preferred_element_type=jnp.float32) + fc2b_ref[...]



def kernel(x, edge_index, batch, W0, b0, W1, b1, W2, b2,
           g0, be0, g1, be1, g2, be2, fc1_w, fc1_b, fc2_w, fc2_b):
    n, f_in = x.shape
    e = edge_index.shape[1]
    h = W0.shape[1]
    out_dim = fc2_w.shape[1]
    nseg = 16

    ept = _cdiv(e, NW * CH * IBLK) * CH * IBLK
    e_pad = ept * NW
    n_pad = _cdiv(n + 1, NS * CH) * NS * CH
    src = jnp.concatenate(
        [edge_index[0], jnp.zeros((e_pad - e,), jnp.int32)]
    ).reshape(NW, ept // CH, CH)
    dst = jnp.concatenate(
        [edge_index[1], jnp.full((e_pad - e,), n, jnp.int32)]
    ).reshape(NW, ept // CH, CH)

    deg2 = _make_deg_kernel(n_pad, ept)(dst)

    head = pl.pallas_call(
        functools.partial(_head_body, n),
        out_shape=[jax.ShapeDtypeStruct((n, 1), jnp.float32),
                   jax.ShapeDtypeStruct((n, h), jnp.float32)],
    )
    dinv, hp = head(x, deg2, W0)

    edge = _make_edge_kernel(n_pad, ept, h)

    mid = pl.pallas_call(
        functools.partial(_mid_body, n),
        out_shape=jax.ShapeDtypeStruct((n, h), jnp.float32),
    )
    row = lambda v: v.reshape(1, -1)
    for (b, g, be, wn) in ((b0, g0, be0, W1), (b1, g1, be1, W2)):
        acc = edge(hp, src, dst)
        hp = mid(acc, hp, dinv, row(b), row(g), row(be), wn)

    acc = edge(hp, src, dst)
    tail = pl.pallas_call(
        functools.partial(_tail_body, n, nseg),
        out_shape=jax.ShapeDtypeStruct((nseg, out_dim), jnp.float32),
    )
    return tail(acc, hp, dinv, row(b2), row(g2), row(be2),
                batch.reshape(1, -1), fc1_w, row(fc1_b), fc2_w, row(fc2_b))

# --- scband reference (transcript-rebuilt; emitter-appended) ---
"""Pipeline reference for scband-gnnbranch-66846870995381 (READ-ONLY COPY).

The authoritative reference and input builder live on the scoring server;
editing this copy changes nothing except your own understanding.
"""

import jax, jax.numpy as jnp
import numpy as np

N = 10000
E = 320000
F_IN = 128
H = 128
OUT = 64
B = 16

def _gcn_conv(x, edge_index, W, b):
    n = x.shape[0]
    loop = jnp.arange(n, dtype=edge_index.dtype)
    src = jnp.concatenate([edge_index[0], loop])
    dst = jnp.concatenate([edge_index[1], loop])
    deg = jnp.zeros((n,), dtype=x.dtype).at[dst].add(1.0)
    dinv = jnp.where(deg > 0, jax.lax.rsqrt(jnp.maximum(deg, 1e-12)), 0.0)
    norm = dinv[src] * dinv[dst]
    h = x @ W
    msg = h[src] * norm[:, None]
    out = jnp.zeros((n, W.shape[1]), dtype=x.dtype).at[dst].add(msg)
    return out + b

def _bn(x, g, be):
    mu = jnp.mean(x, axis=0)
    var = jnp.var(x, axis=0)
    return g * (x - mu) * jax.lax.rsqrt(var + 1e-5) + be

def setup_inputs(seed: int = 0):
    key = jax.random.key(seed)
    ks = jax.random.split(key, 24)
    x = jax.random.normal(ks[0], (N, F_IN), dtype=jnp.float32)
    edge_index = jax.random.randint(ks[1], (2, E), 0, N, dtype=jnp.int32)
    batch = jnp.sort(jax.random.randint(ks[2], (N,), 0, B, dtype=jnp.int32))
    def lin(k, fi, fo):
        return jax.random.normal(k, (fi, fo), dtype=jnp.float32) / np.sqrt(fi)
    inp = {"x": x, "edge_index": edge_index, "batch": batch}
    inp["W0"] = lin(ks[3], F_IN, H); inp["b0"] = jnp.zeros((H,), jnp.float32)
    inp["W1"] = lin(ks[4], H, H); inp["b1"] = jnp.zeros((H,), jnp.float32)
    inp["W2"] = lin(ks[5], H, H); inp["b2"] = jnp.zeros((H,), jnp.float32)
    for i in range(3):
        inp["g%d" % i] = jnp.ones((H,), jnp.float32)
        inp["be%d" % i] = jnp.zeros((H,), jnp.float32)
    inp["fc1_w"] = lin(ks[6], H, H); inp["fc1_b"] = jnp.zeros((H,), jnp.float32)
    inp["fc2_w"] = lin(ks[7], H, OUT); inp["fc2_b"] = jnp.zeros((OUT,), jnp.float32)
    return inp

def reference(x, edge_index, batch, W0, b0, W1, b1, W2, b2, g0, be0, g1, be1, g2, be2, fc1_w, fc1_b, fc2_w, fc2_b):
    h = x
    for (W, b, g, be) in ((W0, b0, g0, be0), (W1, b1, g1, be1), (W2, b2, g2, be2)):
        h = _gcn_conv(h, edge_index, W, b)
        h = _bn(h, g, be)
        h = jax.nn.relu(h)
    sums = jax.ops.segment_sum(h, batch, num_segments=B)
    cnt = jax.ops.segment_sum(jnp.ones((h.shape[0], 1), h.dtype), batch, num_segments=B)
    pooled = sums / jnp.maximum(cnt, 1.0)
    h = jax.nn.relu(pooled @ fc1_w + fc1_b)
    return h @ fc2_w + fc2_b

if __name__ == "__main__":
    import jax
    _d = setup_inputs()
    print(jax.jit(kernel)(*tuple(_d.values())))

</pallas_src>

<mosaic_0001>
#map = affine_map<(d0, d1) -> (0, 0)>
#map1 = affine_map<(d0, d1) -> (0, 0, 0)>
module attributes {stable_mosaic.version = 14 : i64} {
  func.func @edge_kernel(%arg0: i32, %arg1: i32, %arg2: memref<10000x128xf32, #tpu.memory_space<hbm>>, %arg3: memref<32x80x128xi32, #tpu.memory_space<hbm>>, %arg4: memref<32x80x128xi32, #tpu.memory_space<hbm>>, %arg5: memref<2x10240x128xf32, #tpu.memory_space<hbm>>, %arg6: memref<128xi32, #tpu.memory_space<vmem>>, %arg7: memref<128xi32, #tpu.memory_space<vmem>>, %arg8: memref<128x128xf32, #tpu.memory_space<vmem>>, %arg9: memref<128x128xf32, #tpu.memory_space<vmem>>, %arg10: memref<10240x128xf32, #tpu.memory_space<vmem_shared>>, %arg11: memref<!tpu.dma_semaphore, #tpu.memory_space<semaphore_mem>>, %arg12: memref<!tpu.dma_semaphore, #tpu.memory_space<semaphore_mem>>) attributes {dimension_semantics = [#tpu.dimension_semantics<core_parallel>, #tpu.dimension_semantics<subcore_parallel>], iteration_bounds = array<i64: 2, 16>, scalar_prefetch = 0 : i64, scratch_operands = 7 : i64, tpu.core_type = #tpu.core_type<sc_vector_subcore>, window_params = [{transform_indices = #map}, {transform_indices = #map1}, {transform_indices = #map1}, {transform_indices = #map1}]} {
    %mul3A = arith.constant 2 : i32
    %mul3A_0 = arith.muli %arg1, %mul3A : i32
    %add3A = arith.addi %mul3A_0, %arg0 : i32
    %scan3A = arith.constant 0 : i32
    %scan3A_1 = arith.constant 0 : i32
    %scan3A_2 = arith.constant 128 : i32
    %scan3A_3 = arith.addi %scan3A_1, %scan3A_2 : i32
    %scan3A_4 = arith.constant 1 : i32
    %scan3A_5 = scf.for %scan3A_26 = %scan3A_1 to %scan3A_3 step %scan3A_4 iter_args(%scan3A_27 = %scan3A) -> (i32)  : i32 {
      %scan3A_28 = arith.constant 0 : i32
      %scan3A_29 = arith.constant 0 : i32
      %scan3A_30 = arith.constant 8 : i32
      %scan3A_31 = arith.addi %scan3A_29, %scan3A_30 : i32
      %scan3A_32 = arith.constant 1 : i32
      %scan3A_33 = scf.for %scan3A_35 = %scan3A_29 to %scan3A_31 step %scan3A_32 iter_args(%scan3A_36 = %scan3A_28) -> (i32)  : i32 {
        %broadcast_in_dim3A = arith.constant 0.000000e+00 : f32
        %broadcast_in_dim3A_37 = vector.broadcast %broadcast_in_dim3A : f32 to vector<16xf32>
        %mul3A_38 = arith.constant 16 : i32
        %mul3A_39 = arith.muli %scan3A_35, %mul3A_38 : i32
        %swap3A = arith.index_cast %scan3A_26 : i32 to index
        %swap3A_40 = arith.index_cast %mul3A_39 : i32 to index
        %swap3A_41 = tpu.vector_load %arg8[%swap3A, %swap3A_40] {strides = array<i32>} : memref<128x128xf32, #tpu.memory_space<vmem>>, vector<1x16xf32>,
        %swap3A_42 = vector.shape_cast %swap3A_41 : vector<1x16xf32> to vector<16xf32>
        %swap3A_43 = vector.shape_cast %broadcast_in_dim3A_37 : vector<16xf32> to vector<1x16xf32>
        tpu.vector_store %arg8[%swap3A, %swap3A_40], %swap3A_43 {strides = array<i32>} : memref<128x128xf32, #tpu.memory_space<vmem>>, vector<1x16xf32>,
        %scan3A_44 = arith.constant 0 : i32
        scf.yield %scan3A_44 : i32
      }
      %scan3A_34 = arith.constant 8 : i32
      scf.yield %scan3A_33 : i32
    }
    %scan3A_6 = arith.constant 128 : i32
    %scan3A_7 = arith.constant 0 : i32
    %scan3A_8 = arith.constant 0 : i32
    %scan3A_9 = arith.constant 5 : i32
    %scan3A_10 = arith.addi %scan3A_8, %scan3A_9 : i32
    %scan3A_11 = arith.constant 1 : i32
    %scan3A_12 = scf.for %scan3A_26 = %scan3A_8 to %scan3A_10 step %scan3A_11 iter_args(%scan3A_27 = %scan3A_7) -> (i32)  : i32 {
      %mul3A_28 = arith.constant 640 : i32
      %mul3A_29 = arith.muli %arg1, %mul3A_28 : i32
      %mul3A_30 = arith.constant 128 : i32
      %mul3A_31 = arith.muli %scan3A_26, %mul3A_30 : i32
      %add3A_32 = arith.addi %mul3A_29, %mul3A_31 : i32
      "tpu.region"() ({
        %run_scoped3A = tpu.sem_alloc : memref<!tpu.dma_semaphore, #tpu.memory_space<semaphore_mem>>
        %dma_start3A = arith.constant 0 : i32
        %dma_start3A_34 = tpu.memref_slice %arg10[%add3A_32, %dma_start3A] : memref<10240x128xf32, #tpu.memory_space<vmem_shared>> -> memref<128x128xf32, #tpu.memory_space<vmem_shared>>
        %dma_start3A_35 = arith.constant 0 : i32
        %dma_start3A_36 = tpu.memref_slice %arg10[%add3A_32, %dma_start3A_35] : memref<10240x128xf32, #tpu.memory_space<vmem_shared>> -> memref<128x128xf32, #tpu.memory_space<vmem_shared>>
        tpu.enqueue_dma source(%arg8 : memref<128x128xf32, #tpu.memory_space<vmem>>) target(%dma_start3A_36 : memref<128x128xf32, #tpu.memory_space<vmem_shared>>) target_semaphore(%run_scoped3A : memref<!tpu.dma_semaphore, #tpu.memory_space<semaphore_mem>>)
        %dma_wait3A = arith.constant 0 : i32
        %dma_wait3A_37 = tpu.memref_slice %arg10[%add3A_32, %dma_wait3A] : memref<10240x128xf32, #tpu.memory_space<vmem_shared>> -> memref<128x128xf32, #tpu.memory_space<vmem_shared>>
        %dma_wait3A_38 = arith.constant 0 : i32
        %dma_wait3A_39 = tpu.memref_slice %arg10[%add3A_32, %dma_wait3A_38] : memref<10240x128xf32, #tpu.memory_space<vmem_shared>> -> memref<128x128xf32, #tpu.memory_space<vmem_shared>>
        tpu.wait_dma2 semaphore(%run_scoped3A : memref<!tpu.dma_semaphore, #tpu.memory_space<semaphore_mem>>) src(%arg8 : memref<128x128xf32, #tpu.memory_space<vmem>>) dst(%dma_wait3A_39 : memref<128x128xf32, #tpu.memory_space<vmem_shared>>)
        tpu.yield
      }) : () -> ()
      %scan3A_33 = arith.constant 0 : i32
      scf.yield %scan3A_33 : i32
    }
    %scan3A_13 = arith.constant 5 : i32
    %barrier3A = arith.constant 0 : index
    tpu.barrier barrier_id(%barrier3A)
    %scan3A_14 = arith.constant 0 : i32
    %scan3A_15 = arith.constant 0 : i32
    %scan3A_16 = arith.constant 80 : i32
    %scan3A_17 = arith.addi %scan3A_15, %scan3A_16 : i32
    %scan3A_18 = arith.constant 1 : i32
    %scan3A_19 = scf.for %scan3A_26 = %scan3A_15 to %scan3A_17 step %scan3A_18 iter_args(%scan3A_27 = %scan3A_14) -> (i32)  : i32 {
      "tpu.region"() ({
        %run_scoped3A = tpu.sem_alloc : memref<!tpu.dma_semaphore, #tpu.memory_space<semaphore_mem>>
        %dma_start3A_33 = arith.constant 0 : i32
        %dma_start3A_34 = tpu.memref_slice %arg3[%add3A, %scan3A_26, %dma_start3A_33] : memref<32x80x128xi32, #tpu.memory_space<hbm>> -> memref<1x1x128xi32, #tpu.memory_space<hbm>>
        %dma_start3A_35 = tpu.memref_squeeze %dma_start3A_34 : memref<1x1x128xi32, #tpu.memory_space<hbm>> -> memref<128xi32, #tpu.memory_space<hbm>>
        %dma_start3A_36 = arith.constant 0 : i32
        %dma_start3A_37 = tpu.memref_slice %arg3[%add3A, %scan3A_26, %dma_start3A_36] : memref<32x80x128xi32, #tpu.memory_space<hbm>> -> memref<1x1x128xi32, #tpu.memory_space<hbm>>
        %dma_start3A_38 = tpu.memref_squeeze %dma_start3A_37 : memref<1x1x128xi32, #tpu.memory_space<hbm>> -> memref<128xi32, #tpu.memory_space<hbm>>
        tpu.enqueue_dma source(%dma_start3A_38 : memref<128xi32, #tpu.memory_space<hbm>>) target(%arg6 : memref<128xi32, #tpu.memory_space<vmem>>) target_semaphore(%run_scoped3A : memref<!tpu.dma_semaphore, #tpu.memory_space<semaphore_mem>>)
        %dma_wait3A_39 = arith.constant 0 : i32
        %dma_wait3A_40 = tpu.memref_slice %arg3[%add3A, %scan3A_26, %dma_wait3A_39] : memref<32x80x128xi32, #tpu.memory_space<hbm>> -> memref<1x1x128xi32, #tpu.memory_space<hbm>>
        %dma_wait3A_41 = tpu.memref_squeeze %dma_wait3A_40 : memref<1x1x128xi32, #tpu.memory_space<hbm>> -> memref<128xi32, #tpu.memory_space<hbm>>
        %dma_wait3A_42 = arith.constant 0 : i32
        %dma_wait3A_43 = tpu.memref_slice %arg3[%add3A, %scan3A_26, %dma_wait3A_42] : memref<32x80x128xi32, #tpu.memory_space<hbm>> -> memref<1x1x128xi32, #tpu.memory_space<hbm>>
        %dma_wait3A_44 = tpu.memref_squeeze %dma_wait3A_43 : memref<1x1x128xi32, #tpu.memory_space<hbm>> -> memref<128xi32, #tpu.memory_space<hbm>>
        tpu.wait_dma2 semaphore(%run_scoped3A : memref<!tpu.dma_semaphore, #tpu.memory_space<semaphore_mem>>) src(%dma_wait3A_44 : memref<128xi32, #tpu.memory_space<hbm>>) dst(%arg6 : memref<128xi32, #tpu.memory_space<vmem>>)
        tpu.yield
      }) : () -> ()
      "tpu.region"() ({
        %run_scoped3A = tpu.sem_alloc : memref<!tpu.dma_semaphore, #tpu.memory_space<semaphore_mem>>
        %dma_start3A_33 = arith.constant 0 : i32
        %dma_start3A_34 = tpu.memref_slice %arg4[%add3A, %scan3A_26, %dma_start3A_33] : memref<32x80x128xi32, #tpu.memory_space<hbm>> -> memref<1x1x128xi32, #tpu.memory_space<hbm>>
        %dma_start3A_35 = tpu.memref_squeeze %dma_start3A_34 : memref<1x1x128xi32, #tpu.memory_space<hbm>> -> memref<128xi32, #tpu.memory_space<hbm>>
        %dma_start3A_36 = arith.constant 0 : i32
        %dma_start3A_37 = tpu.memref_slice %arg4[%add3A, %scan3A_26, %dma_start3A_36] : memref<32x80x128xi32, #tpu.memory_space<hbm>> -> memref<1x1x128xi32, #tpu.memory_space<hbm>>
        %dma_start3A_38 = tpu.memref_squeeze %dma_start3A_37 : memref<1x1x128xi32, #tpu.memory_space<hbm>> -> memref<128xi32, #tpu.memory_space<hbm>>
        tpu.enqueue_dma source(%dma_start3A_38 : memref<128xi32, #tpu.memory_space<hbm>>) target(%arg7 : memref<128xi32, #tpu.memory_space<vmem>>) target_semaphore(%run_scoped3A : memref<!tpu.dma_semaphore, #tpu.memory_space<semaphore_mem>>)
        %dma_wait3A_39 = arith.constant 0 : i32
        %dma_wait3A_40 = tpu.memref_slice %arg4[%add3A, %scan3A_26, %dma_wait3A_39] : memref<32x80x128xi32, #tpu.memory_space<hbm>> -> memref<1x1x128xi32, #tpu.memory_space<hbm>>
        %dma_wait3A_41 = tpu.memref_squeeze %dma_wait3A_40 : memref<1x1x128xi32, #tpu.memory_space<hbm>> -> memref<128xi32, #tpu.memory_space<hbm>>
        %dma_wait3A_42 = arith.constant 0 : i32
        %dma_wait3A_43 = tpu.memref_slice %arg4[%add3A, %scan3A_26, %dma_wait3A_42] : memref<32x80x128xi32, #tpu.memory_space<hbm>> -> memref<1x1x128xi32, #tpu.memory_space<hbm>>
        %dma_wait3A_44 = tpu.memref_squeeze %dma_wait3A_43 : memref<1x1x128xi32, #tpu.memory_space<hbm>> -> memref<128xi32, #tpu.memory_space<hbm>>
        tpu.wait_dma2 semaphore(%run_scoped3A : memref<!tpu.dma_semaphore, #tpu.memory_space<semaphore_mem>>) src(%dma_wait3A_44 : memref<128xi32, #tpu.memory_space<hbm>>) dst(%arg7 : memref<128xi32, #tpu.memory_space<vmem>>)
        tpu.yield
      }) : () -> ()
      %dma_start3A = arith.constant 0 : i32
      %dma_start3A_28 = arith.constant 0 : i32
      %dma_start3A_29 = tpu.memref_slice %arg2[%dma_start3A, %dma_start3A_28] : memref<10000x128xf32, #tpu.memory_space<hbm>> -> memref<10000x128xf32, #tpu.memory_space<hbm>>
      tpu.enqueue_indirect_dma source(%dma_start3A_29 : memref<10000x128xf32, #tpu.memory_space<hbm>>) target(%arg8 : memref<128x128xf32, #tpu.memory_space<vmem>>) offsets(%arg6 : memref<128xi32, #tpu.memory_space<vmem>>) semaphore(%arg11 : memref<!tpu.dma_semaphore, #tpu.memory_space<semaphore_mem>>)
      %dma_wait3A = arith.constant 0 : i32
      %dma_wait3A_30 = arith.constant 0 : i32
      %dma_wait3A_31 = tpu.memref_slice %arg2[%dma_wait3A, %dma_wait3A_30] : memref<10000x128xf32, #tpu.memory_space<hbm>> -> memref<10000x128xf32, #tpu.memory_space<hbm>>
      tpu.wait_indirect_dma semaphore(%arg11 : memref<!tpu.dma_semaphore, #tpu.memory_space<semaphore_mem>>) src(%dma_wait3A_31 : memref<10000x128xf32, #tpu.memory_space<hbm>>) dst(%arg8 : memref<128x128xf32, #tpu.memory_space<vmem>>)
      "tpu.region"() ({
        %run_scoped3A = tpu.sem_alloc : memref<!tpu.dma_semaphore, #tpu.memory_space<semaphore_mem>>
        %dma_start3A_33 = arith.constant 0 : i32
        %dma_start3A_34 = arith.constant 0 : i32
        %dma_start3A_35 = tpu.memref_slice %arg10[%dma_start3A_33, %dma_start3A_34] : memref<10240x128xf32, #tpu.memory_space<vmem_shared>> -> memref<10240x128xf32, #tpu.memory_space<vmem_shared>>
        tpu.enqueue_indirect_dma source(%arg8 : memref<128x128xf32, #tpu.memory_space<vmem>>) target(%dma_start3A_35 : memref<10240x128xf32, #tpu.memory_space<vmem_shared>>) offsets(%arg7 : memref<128xi32, #tpu.memory_space<vmem>>) semaphore(%run_scoped3A : memref<!tpu.dma_semaphore, #tpu.memory_space<semaphore_mem>>) {add = true}
        %dma_wait3A_36 = arith.constant 0 : i32
        %dma_wait3A_37 = arith.constant 0 : i32
        %dma_wait3A_38 = tpu.memref_slice %arg10[%dma_wait3A_36, %dma_wait3A_37] : memref<10240x128xf32, #tpu.memory_space<vmem_shared>> -> memref<10240x128xf32, #tpu.memory_space<vmem_shared>>
        tpu.wait_indirect_dma semaphore(%run_scoped3A : memref<!tpu.dma_semaphore, #tpu.memory_space<semaphore_mem>>) src(%arg8 : memref<128x128xf32, #tpu.memory_space<vmem>>) dst(%dma_wait3A_38 : memref<10240x128xf32, #tpu.memory_space<vmem_shared>>)
        tpu.yield
      }) : () -> ()
      %scan3A_32 = arith.constant 0 : i32
      scf.yield %scan3A_32 : i32
    }
    %scan3A_20 = arith.constant 80 : i32
    %barrier3A_21 = arith.constant 0 : index
    tpu.barrier barrier_id(%barrier3A_21)
    %mul3A_22 = arith.constant 640 : i32
    %mul3A_23 = arith.muli %arg1, %mul3A_22 : i32
    %mul3A_24 = arith.constant 640 : i32
    %mul3A_25 = arith.muli %arg1, %mul3A_24 : i32
    "tpu.region"() ({
      %run_scoped3A = tpu.sem_alloc : memref<!tpu.dma_semaphore, #tpu.memory_space<semaphore_mem>>
      %dma_start3A = arith.constant 0 : i32
      %dma_start3A_26 = tpu.memref_slice %arg5[%arg0, %mul3A_25, %dma_start3A] : memref<2x10240x128xf32, #tpu.memory_space<hbm>> -> memref<1x640x128xf32, #tpu.memory_space<hbm>>
      %dma_start3A_27 = tpu.memref_squeeze %dma_start3A_26 : memref<1x640x128xf32, #tpu.memory_space<hbm>> -> memref<640x128xf32, #tpu.memory_space<hbm>>
      %dma_start3A_28 = arith.constant 0 : i32
      %dma_start3A_29 = tpu.memref_slice %arg10[%mul3A_23, %dma_start3A_28] : memref<10240x128xf32, #tpu.memory_space<vmem_shared>> -> memref<640x128xf32, #tpu.memory_space<vmem_shared>>
      tpu.enqueue_dma source(%dma_start3A_29 : memref<640x128xf32, #tpu.memory_space<vmem_shared>>) target(%dma_start3A_27 : memref<640x128xf32, #tpu.memory_space<hbm>>) target_semaphore(%run_scoped3A : memref<!tpu.dma_semaphore, #tpu.memory_space<semaphore_mem>>)
      %dma_wait3A = arith.constant 0 : i32
      %dma_wait3A_30 = tpu.memref_slice %arg5[%arg0, %mul3A_25, %dma_wait3A] : memref<2x10240x128xf32, #tpu.memory_space<hbm>> -> memref<1x640x128xf32, #tpu.memory_space<hbm>>
      %dma_wait3A_31 = tpu.memref_squeeze %dma_wait3A_30 : memref<1x640x128xf32, #tpu.memory_space<hbm>> -> memref<640x128xf32, #tpu.memory_space<hbm>>
      %dma_wait3A_32 = arith.constant 0 : i32
      %dma_wait3A_33 = tpu.memref_slice %arg10[%mul3A_23, %dma_wait3A_32] : memref<10240x128xf32, #tpu.memory_space<vmem_shared>> -> memref<640x128xf32, #tpu.memory_space<vmem_shared>>
      tpu.wait_dma2 semaphore(%run_scoped3A : memref<!tpu.dma_semaphore, #tpu.memory_space<semaphore_mem>>) src(%dma_wait3A_33 : memref<640x128xf32, #tpu.memory_space<vmem_shared>>) dst(%dma_wait3A_31 : memref<640x128xf32, #tpu.memory_space<hbm>>)
      tpu.yield
    }) : () -> ()
    return
  }
}

#map = affine_map<(d0, d1) -> (0, 0, 0)>
module attributes {stable_mosaic.version = 14 : i64} {
  func.func @deg_kernel(%arg0: i32, %arg1: i32, %arg2: memref<32x80x128xi32, #tpu.memory_space<hbm>>, %arg3: memref<2x10240x128xf32, #tpu.memory_space<hbm>>, %arg4: memref<80x128xi32, #tpu.memory_space<vmem>>, %arg5: memref<128x128xf32, #tpu.memory_space<vmem>>, %arg6: memref<10240x128xf32, #tpu.memory_space<vmem_shared>>) attributes {dimension_semantics = [#tpu.dimension_semantics<core_parallel>, #tpu.dimension_semantics<subcore_parallel>], iteration_bounds = array<i64: 2, 16>, scalar_prefetch = 0 : i64, scratch_operands = 3 : i64, tpu.core_type = #tpu.core_type<sc_vector_subcore>, window_params = [{transform_indices = #map}, {transform_indices = #map}]} {
    %mul3A = arith.constant 2 : i32
    %mul3A_0 = arith.muli %arg1, %mul3A : i32
    %add3A = arith.addi %mul3A_0, %arg0 : i32
    %scan3A = arith.constant 0 : i32
    %scan3A_1 = arith.constant 0 : i32
    %scan3A_2 = arith.constant 128 : i32
    %scan3A_3 = arith.addi %scan3A_1, %scan3A_2 : i32
    %scan3A_4 = arith.constant 1 : i32
    %scan3A_5 = scf.for %scan3A_33 = %scan3A_1 to %scan3A_3 step %scan3A_4 iter_args(%scan3A_34 = %scan3A) -> (i32)  : i32 {
      %scan3A_35 = arith.constant 0 : i32
      %scan3A_36 = arith.constant 0 : i32
      %scan3A_37 = arith.constant 8 : i32
      %scan3A_38 = arith.addi %scan3A_36, %scan3A_37 : i32
      %scan3A_39 = arith.constant 1 : i32
      %scan3A_40 = scf.for %scan3A_42 = %scan3A_36 to %scan3A_38 step %scan3A_39 iter_args(%scan3A_43 = %scan3A_35) -> (i32)  : i32 {
        %broadcast_in_dim3A = arith.constant 0.000000e+00 : f32
        %broadcast_in_dim3A_44 = vector.broadcast %broadcast_in_dim3A : f32 to vector<16xf32>
        %mul3A_45 = arith.constant 16 : i32
        %mul3A_46 = arith.muli %scan3A_42, %mul3A_45 : i32
        %swap3A = arith.index_cast %scan3A_33 : i32 to index
        %swap3A_47 = arith.index_cast %mul3A_46 : i32 to index
        %swap3A_48 = tpu.vector_load %arg5[%swap3A, %swap3A_47] {strides = array<i32>} : memref<128x128xf32, #tpu.memory_space<vmem>>, vector<1x16xf32>,
        %swap3A_49 = vector.shape_cast %swap3A_48 : vector<1x16xf32> to vector<16xf32>
        %swap3A_50 = vector.shape_cast %broadcast_in_dim3A_44 : vector<16xf32> to vector<1x16xf32>
        tpu.vector_store %arg5[%swap3A, %swap3A_47], %swap3A_50 {strides = array<i32>} : memref<128x128xf32, #tpu.memory_space<vmem>>, vector<1x16xf32>,
        %scan3A_51 = arith.constant 0 : i32
        scf.yield %scan3A_51 : i32
      }
      %scan3A_41 = arith.constant 8 : i32
      scf.yield %scan3A_40 : i32
    }
    %scan3A_6 = arith.constant 128 : i32
    %scan3A_7 = arith.constant 0 : i32
    %scan3A_8 = arith.constant 0 : i32
    %scan3A_9 = arith.constant 5 : i32
    %scan3A_10 = arith.addi %scan3A_8, %scan3A_9 : i32
    %scan3A_11 = arith.constant 1 : i32
    %scan3A_12 = scf.for %scan3A_33 = %scan3A_8 to %scan3A_10 step %scan3A_11 iter_args(%scan3A_34 = %scan3A_7) -> (i32)  : i32 {
      %mul3A_35 = arith.constant 640 : i32
      %mul3A_36 = arith.muli %arg1, %mul3A_35 : i32
      %mul3A_37 = arith.constant 128 : i32
      %mul3A_38 = arith.muli %scan3A_33, %mul3A_37 : i32
      %add3A_39 = arith.addi %mul3A_36, %mul3A_38 : i32
      "tpu.region"() ({
        %run_scoped3A = tpu.sem_alloc : memref<!tpu.dma_semaphore, #tpu.memory_space<semaphore_mem>>
        %dma_start3A = arith.constant 0 : i32
        %dma_start3A_41 = tpu.memref_slice %arg6[%add3A_39, %dma_start3A] : memref<10240x128xf32, #tpu.memory_space<vmem_shared>> -> memref<128x128xf32, #tpu.memory_space<vmem_shared>>
        %dma_start3A_42 = arith.constant 0 : i32
        %dma_start3A_43 = tpu.memref_slice %arg6[%add3A_39, %dma_start3A_42] : memref<10240x128xf32, #tpu.memory_space<vmem_shared>> -> memref<128x128xf32, #tpu.memory_space<vmem_shared>>
        tpu.enqueue_dma source(%arg5 : memref<128x128xf32, #tpu.memory_space<vmem>>) target(%dma_start3A_43 : memref<128x128xf32, #tpu.memory_space<vmem_shared>>) target_semaphore(%run_scoped3A : memref<!tpu.dma_semaphore, #tpu.memory_space<semaphore_mem>>)
        %dma_wait3A = arith.constant 0 : i32
        %dma_wait3A_44 = tpu.memref_slice %arg6[%add3A_39, %dma_wait3A] : memref<10240x128xf32, #tpu.memory_space<vmem_shared>> -> memref<128x128xf32, #tpu.memory_space<vmem_shared>>
        %dma_wait3A_45 = arith.constant 0 : i32
        %dma_wait3A_46 = tpu.memref_slice %arg6[%add3A_39, %dma_wait3A_45] : memref<10240x128xf32, #tpu.memory_space<vmem_shared>> -> memref<128x128xf32, #tpu.memory_space<vmem_shared>>
        tpu.wait_dma2 semaphore(%run_scoped3A : memref<!tpu.dma_semaphore, #tpu.memory_space<semaphore_mem>>) src(%arg5 : memref<128x128xf32, #tpu.memory_space<vmem>>) dst(%dma_wait3A_46 : memref<128x128xf32, #tpu.memory_space<vmem_shared>>)
        tpu.yield
      }) : () -> ()
      %scan3A_40 = arith.constant 0 : i32
      scf.yield %scan3A_40 : i32
    }
    %scan3A_13 = arith.constant 5 : i32
    %scan3A_14 = arith.constant 0 : i32
    %scan3A_15 = arith.constant 0 : i32
    %scan3A_16 = arith.constant 128 : i32
    %scan3A_17 = arith.addi %scan3A_15, %scan3A_16 : i32
    %scan3A_18 = arith.constant 1 : i32
    %scan3A_19 = scf.for %scan3A_33 = %scan3A_15 to %scan3A_17 step %scan3A_18 iter_args(%scan3A_34 = %scan3A_14) -> (i32)  : i32 {
      %scan3A_35 = arith.constant 0 : i32
      %scan3A_36 = arith.constant 0 : i32
      %scan3A_37 = arith.constant 8 : i32
      %scan3A_38 = arith.addi %scan3A_36, %scan3A_37 : i32
      %scan3A_39 = arith.constant 1 : i32
      %scan3A_40 = scf.for %scan3A_42 = %scan3A_36 to %scan3A_38 step %scan3A_39 iter_args(%scan3A_43 = %scan3A_35) -> (i32)  : i32 {
        %broadcast_in_dim3A = arith.constant 1.000000e+00 : f32
        %broadcast_in_dim3A_44 = vector.broadcast %broadcast_in_dim3A : f32 to vector<16xf32>
        %mul3A_45 = arith.constant 16 : i32
        %mul3A_46 = arith.muli %scan3A_42, %mul3A_45 : i32
        %swap3A = arith.index_cast %scan3A_33 : i32 to index
        %swap3A_47 = arith.index_cast %mul3A_46 : i32 to index
        %swap3A_48 = tpu.vector_load %arg5[%swap3A, %swap3A_47] {strides = array<i32>} : memref<128x128xf32, #tpu.memory_space<vmem>>, vector<1x16xf32>,
        %swap3A_49 = vector.shape_cast %swap3A_48 : vector<1x16xf32> to vector<16xf32>
        %swap3A_50 = vector.shape_cast %broadcast_in_dim3A_44 : vector<16xf32> to vector<1x16xf32>
        tpu.vector_store %arg5[%swap3A, %swap3A_47], %swap3A_50 {strides = array<i32>} : memref<128x128xf32, #tpu.memory_space<vmem>>, vector<1x16xf32>,
        %scan3A_51 = arith.constant 0 : i32
        scf.yield %scan3A_51 : i32
      }
      %scan3A_41 = arith.constant 8 : i32
      scf.yield %scan3A_40 : i32
    }
    %scan3A_20 = arith.constant 128 : i32
    "tpu.region"() ({
      %run_scoped3A = tpu.sem_alloc : memref<!tpu.dma_semaphore, #tpu.memory_space<semaphore_mem>>
      %dma_start3A = arith.constant 0 : i32
      %dma_start3A_33 = arith.constant 0 : i32
      %dma_start3A_34 = tpu.memref_slice %arg2[%add3A, %dma_start3A, %dma_start3A_33] : memref<32x80x128xi32, #tpu.memory_space<hbm>> -> memref<1x80x128xi32, #tpu.memory_space<hbm>>
      %dma_start3A_35 = tpu.memref_squeeze %dma_start3A_34 : memref<1x80x128xi32, #tpu.memory_space<hbm>> -> memref<80x128xi32, #tpu.memory_space<hbm>>
      %dma_start3A_36 = arith.constant 0 : i32
      %dma_start3A_37 = arith.constant 0 : i32
      %dma_start3A_38 = tpu.memref_slice %arg2[%add3A, %dma_start3A_36, %dma_start3A_37] : memref<32x80x128xi32, #tpu.memory_space<hbm>> -> memref<1x80x128xi32, #tpu.memory_space<hbm>>
      %dma_start3A_39 = tpu.memref_squeeze %dma_start3A_38 : memref<1x80x128xi32, #tpu.memory_space<hbm>> -> memref<80x128xi32, #tpu.memory_space<hbm>>
      tpu.enqueue_dma source(%dma_start3A_39 : memref<80x128xi32, #tpu.memory_space<hbm>>) target(%arg4 : memref<80x128xi32, #tpu.memory_space<vmem>>) target_semaphore(%run_scoped3A : memref<!tpu.dma_semaphore, #tpu.memory_space<semaphore_mem>>)
      %dma_wait3A = arith.constant 0 : i32
      %dma_wait3A_40 = arith.constant 0 : i32
      %dma_wait3A_41 = tpu.memref_slice %arg2[%add3A, %dma_wait3A, %dma_wait3A_40] : memref<32x80x128xi32, #tpu.memory_space<hbm>> -> memref<1x80x128xi32, #tpu.memory_space<hbm>>
      %dma_wait3A_42 = tpu.memref_squeeze %dma_wait3A_41 : memref<1x80x128xi32, #tpu.memory_space<hbm>> -> memref<80x128xi32, #tpu.memory_space<hbm>>
      %dma_wait3A_43 = arith.constant 0 : i32
      %dma_wait3A_44 = arith.constant 0 : i32
      %dma_wait3A_45 = tpu.memref_slice %arg2[%add3A, %dma_wait3A_43, %dma_wait3A_44] : memref<32x80x128xi32, #tpu.memory_space<hbm>> -> memref<1x80x128xi32, #tpu.memory_space<hbm>>
      %dma_wait3A_46 = tpu.memref_squeeze %dma_wait3A_45 : memref<1x80x128xi32, #tpu.memory_space<hbm>> -> memref<80x128xi32, #tpu.memory_space<hbm>>
      tpu.wait_dma2 semaphore(%run_scoped3A : memref<!tpu.dma_semaphore, #tpu.memory_space<semaphore_mem>>) src(%dma_wait3A_46 : memref<80x128xi32, #tpu.memory_space<hbm>>) dst(%arg4 : memref<80x128xi32, #tpu.memory_space<vmem>>)
      tpu.yield
    }) : () -> ()
    %barrier3A = arith.constant 0 : index
    tpu.barrier barrier_id(%barrier3A)
    %scan3A_21 = arith.constant 0 : i32
    %scan3A_22 = arith.constant 0 : i32
    %scan3A_23 = arith.constant 80 : i32
    %scan3A_24 = arith.addi %scan3A_22, %scan3A_23 : i32
    %scan3A_25 = arith.constant 1 : i32
    %scan3A_26 = scf.for %scan3A_33 = %scan3A_22 to %scan3A_24 step %scan3A_25 iter_args(%scan3A_34 = %scan3A_21) -> (i32)  : i32 {
      "tpu.region"() ({
        %run_scoped3A = tpu.sem_alloc : memref<!tpu.dma_semaphore, #tpu.memory_space<semaphore_mem>>
        %dma_start3A = arith.constant 0 : i32
        %dma_start3A_36 = tpu.memref_slice %arg4[%scan3A_33, %dma_start3A] : memref<80x128xi32, #tpu.memory_space<vmem>> -> memref<1x128xi32, #tpu.memory_space<vmem>>
        %dma_start3A_37 = tpu.memref_squeeze %dma_start3A_36 : memref<1x128xi32, #tpu.memory_space<vmem>> -> memref<128xi32, #tpu.memory_space<vmem>>
        %dma_start3A_38 = arith.constant 0 : i32
        %dma_start3A_39 = arith.constant 0 : i32
        %dma_start3A_40 = tpu.memref_slice %arg6[%dma_start3A_38, %dma_start3A_39] : memref<10240x128xf32, #tpu.memory_space<vmem_shared>> -> memref<10240x128xf32, #tpu.memory_space<vmem_shared>>
        tpu.enqueue_indirect_dma source(%arg5 : memref<128x128xf32, #tpu.memory_space<vmem>>) target(%dma_start3A_40 : memref<10240x128xf32, #tpu.memory_space<vmem_shared>>) offsets(%dma_start3A_37 : memref<128xi32, #tpu.memory_space<vmem>>) semaphore(%run_scoped3A : memref<!tpu.dma_semaphore, #tpu.memory_space<semaphore_mem>>) {add = true}
        %dma_wait3A = arith.constant 0 : i32
        %dma_wait3A_41 = tpu.memref_slice %arg4[%scan3A_33, %dma_wait3A] : memref<80x128xi32, #tpu.memory_space<vmem>> -> memref<1x128xi32, #tpu.memory_space<vmem>>
        %dma_wait3A_42 = tpu.memref_squeeze %dma_wait3A_41 : memref<1x128xi32, #tpu.memory_space<vmem>> -> memref<128xi32, #tpu.memory_space<vmem>>
        %dma_wait3A_43 = arith.constant 0 : i32
        %dma_wait3A_44 = arith.constant 0 : i32
        %dma_wait3A_45 = tpu.memref_slice %arg6[%dma_wait3A_43, %dma_wait3A_44] : memref<10240x128xf32, #tpu.memory_space<vmem_shared>> -> memref<10240x128xf32, #tpu.memory_space<vmem_shared>>
        tpu.wait_indirect_dma semaphore(%run_scoped3A : memref<!tpu.dma_semaphore, #tpu.memory_space<semaphore_mem>>) src(%arg5 : memref<128x128xf32, #tpu.memory_space<vmem>>) dst(%dma_wait3A_45 : memref<10240x128xf32, #tpu.memory_space<vmem_shared>>)
        tpu.yield
      }) : () -> ()
      %scan3A_35 = arith.constant 0 : i32
      scf.yield %scan3A_35 : i32
    }
    %scan3A_27 = arith.constant 80 : i32
    %barrier3A_28 = arith.constant 0 : index
    tpu.barrier barrier_id(%barrier3A_28)
    %mul3A_29 = arith.constant 640 : i32
    %mul3A_30 = arith.muli %arg1, %mul3A_29 : i32
    %mul3A_31 = arith.constant 640 : i32
    %mul3A_32 = arith.muli %arg1, %mul3A_31 : i32
    "tpu.region"() ({
      %run_scoped3A = tpu.sem_alloc : memref<!tpu.dma_semaphore, #tpu.memory_space<semaphore_mem>>
      %dma_start3A = arith.constant 0 : i32
      %dma_start3A_33 = tpu.memref_slice %arg3[%arg0, %mul3A_32, %dma_start3A] : memref<2x10240x128xf32, #tpu.memory_space<hbm>> -> memref<1x640x128xf32, #tpu.memory_space<hbm>>
      %dma_start3A_34 = tpu.memref_squeeze %dma_start3A_33 : memref<1x640x128xf32, #tpu.memory_space<hbm>> -> memref<640x128xf32, #tpu.memory_space<hbm>>
      %dma_start3A_35 = arith.constant 0 : i32
      %dma_start3A_36 = tpu.memref_slice %arg6[%mul3A_30, %dma_start3A_35] : memref<10240x128xf32, #tpu.memory_space<vmem_shared>> -> memref<640x128xf32, #tpu.memory_space<vmem_shared>>
      tpu.enqueue_dma source(%dma_start3A_36 : memref<640x128xf32, #tpu.memory_space<vmem_shared>>) target(%dma_start3A_34 : memref<640x128xf32, #tpu.memory_space<hbm>>) target_semaphore(%run_scoped3A : memref<!tpu.dma_semaphore, #tpu.memory_space<semaphore_mem>>)
      %dma_wait3A = arith.constant 0 : i32
      %dma_wait3A_37 = tpu.memref_slice %arg3[%arg0, %mul3A_32, %dma_wait3A] : memref<2x10240x128xf32, #tpu.memory_space<hbm>> -> memref<1x640x128xf32, #tpu.memory_space<hbm>>
      %dma_wait3A_38 = tpu.memref_squeeze %dma_wait3A_37 : memref<1x640x128xf32, #tpu.memory_space<hbm>> -> memref<640x128xf32, #tpu.memory_space<hbm>>
      %dma_wait3A_39 = arith.constant 0 : i32
      %dma_wait3A_40 = tpu.memref_slice %arg6[%mul3A_30, %dma_wait3A_39] : memref<10240x128xf32, #tpu.memory_space<vmem_shared>> -> memref<640x128xf32, #tpu.memory_space<vmem_shared>>
      tpu.wait_dma2 semaphore(%run_scoped3A : memref<!tpu.dma_semaphore, #tpu.memory_space<semaphore_mem>>) src(%dma_wait3A_40 : memref<640x128xf32, #tpu.memory_space<vmem_shared>>) dst(%dma_wait3A_38 : memref<640x128xf32, #tpu.memory_space<hbm>>)
      tpu.yield
    }) : () -> ()
    return
  }
}

#map = affine_map<(d0, d1) -> (0, 0)>
#map1 = affine_map<(d0, d1) -> (0, 0, 0)>
module attributes {stable_mosaic.version = 14 : i64} {
  func.func @edge_kernel(%arg0: i32, %arg1: i32, %arg2: memref<10000x128xf32, #tpu.memory_space<hbm>>, %arg3: memref<32x80x128xi32, #tpu.memory_space<hbm>>, %arg4: memref<32x80x128xi32, #tpu.memory_space<hbm>>, %arg5: memref<2x10240x128xf32, #tpu.memory_space<hbm>>, %arg6: memref<128xi32, #tpu.memory_space<vmem>>, %arg7: memref<128xi32, #tpu.memory_space<vmem>>, %arg8: memref<128x128xf32, #tpu.memory_space<vmem>>, %arg9: memref<128x128xf32, #tpu.memory_space<vmem>>, %arg10: memref<10240x128xf32, #tpu.memory_space<vmem_shared>>, %arg11: memref<!tpu.dma_semaphore, #tpu.memory_space<semaphore_mem>>, %arg12: memref<!tpu.dma_semaphore, #tpu.memory_space<semaphore_mem>>) attributes {dimension_semantics = [#tpu.dimension_semantics<core_parallel>, #tpu.dimension_semantics<subcore_parallel>], iteration_bounds = array<i64: 2, 16>, scalar_prefetch = 0 : i64, scratch_operands = 7 : i64, tpu.core_type = #tpu.core_type<sc_vector_subcore>, window_params = [{transform_indices = #map}, {transform_indices = #map1}, {transform_indices = #map1}, {transform_indices = #map1}]} {
    %mul3A = arith.constant 2 : i32
    %mul3A_0 = arith.muli %arg1, %mul3A : i32
    %add3A = arith.addi %mul3A_0, %arg0 : i32
    %scan3A = arith.constant 0 : i32
    %scan3A_1 = arith.constant 0 : i32
    %scan3A_2 = arith.constant 128 : i32
    %scan3A_3 = arith.addi %scan3A_1, %scan3A_2 : i32
    %scan3A_4 = arith.constant 1 : i32
    %scan3A_5 = scf.for %scan3A_26 = %scan3A_1 to %scan3A_3 step %scan3A_4 iter_args(%scan3A_27 = %scan3A) -> (i32)  : i32 {
      %scan3A_28 = arith.constant 0 : i32
      %scan3A_29 = arith.constant 0 : i32
      %scan3A_30 = arith.constant 8 : i32
      %scan3A_31 = arith.addi %scan3A_29, %scan3A_30 : i32
      %scan3A_32 = arith.constant 1 : i32
      %scan3A_33 = scf.for %scan3A_35 = %scan3A_29 to %scan3A_31 step %scan3A_32 iter_args(%scan3A_36 = %scan3A_28) -> (i32)  : i32 {
        %broadcast_in_dim3A = arith.constant 0.000000e+00 : f32
        %broadcast_in_dim3A_37 = vector.broadcast %broadcast_in_dim3A : f32 to vector<16xf32>
        %mul3A_38 = arith.constant 16 : i32
        %mul3A_39 = arith.muli %scan3A_35, %mul3A_38 : i32
        %swap3A = arith.index_cast %scan3A_26 : i32 to index
        %swap3A_40 = arith.index_cast %mul3A_39 : i32 to index
        %swap3A_41 = tpu.vector_load %arg8[%swap3A, %swap3A_40] {strides = array<i32>} : memref<128x128xf32, #tpu.memory_space<vmem>>, vector<1x16xf32>,
        %swap3A_42 = vector.shape_cast %swap3A_41 : vector<1x16xf32> to vector<16xf32>
        %swap3A_43 = vector.shape_cast %broadcast_in_dim3A_37 : vector<16xf32> to vector<1x16xf32>
        tpu.vector_store %arg8[%swap3A, %swap3A_40], %swap3A_43 {strides = array<i32>} : memref<128x128xf32, #tpu.memory_space<vmem>>, vector<1x16xf32>,
        %scan3A_44 = arith.constant 0 : i32
        scf.yield %scan3A_44 : i32
      }
      %scan3A_34 = arith.constant 8 : i32
      scf.yield %scan3A_33 : i32
    }
    %scan3A_6 = arith.constant 128 : i32
    %scan3A_7 = arith.constant 0 : i32
    %scan3A_8 = arith.constant 0 : i32
    %scan3A_9 = arith.constant 5 : i32
    %scan3A_10 = arith.addi %scan3A_8, %scan3A_9 : i32
    %scan3A_11 = arith.constant 1 : i32
    %scan3A_12 = scf.for %scan3A_26 = %scan3A_8 to %scan3A_10 step %scan3A_11 iter_args(%scan3A_27 = %scan3A_7) -> (i32)  : i32 {
      %mul3A_28 = arith.constant 640 : i32
      %mul3A_29 = arith.muli %arg1, %mul3A_28 : i32
      %mul3A_30 = arith.constant 128 : i32
      %mul3A_31 = arith.muli %scan3A_26, %mul3A_30 : i32
      %add3A_32 = arith.addi %mul3A_29, %mul3A_31 : i32
      "tpu.region"() ({
        %run_scoped3A = tpu.sem_alloc : memref<!tpu.dma_semaphore, #tpu.memory_space<semaphore_mem>>
        %dma_start3A = arith.constant 0 : i32
        %dma_start3A_34 = tpu.memref_slice %arg10[%add3A_32, %dma_start3A] : memref<10240x128xf32, #tpu.memory_space<vmem_shared>> -> memref<128x128xf32, #tpu.memory_space<vmem_shared>>
        %dma_start3A_35 = arith.constant 0 : i32
        %dma_start3A_36 = tpu.memref_slice %arg10[%add3A_32, %dma_start3A_35] : memref<10240x128xf32, #tpu.memory_space<vmem_shared>> -> memref<128x128xf32, #tpu.memory_space<vmem_shared>>
        tpu.enqueue_dma source(%arg8 : memref<128x128xf32, #tpu.memory_space<vmem>>) target(%dma_start3A_36 : memref<128x128xf32, #tpu.memory_space<vmem_shared>>) target_semaphore(%run_scoped3A : memref<!tpu.dma_semaphore, #tpu.memory_space<semaphore_mem>>)
        %dma_wait3A = arith.constant 0 : i32
        %dma_wait3A_37 = tpu.memref_slice %arg10[%add3A_32, %dma_wait3A] : memref<10240x128xf32, #tpu.memory_space<vmem_shared>> -> memref<128x128xf32, #tpu.memory_space<vmem_shared>>
        %dma_wait3A_38 = arith.constant 0 : i32
        %dma_wait3A_39 = tpu.memref_slice %arg10[%add3A_32, %dma_wait3A_38] : memref<10240x128xf32, #tpu.memory_space<vmem_shared>> -> memref<128x128xf32, #tpu.memory_space<vmem_shared>>
        tpu.wait_dma2 semaphore(%run_scoped3A : memref<!tpu.dma_semaphore, #tpu.memory_space<semaphore_mem>>) src(%arg8 : memref<128x128xf32, #tpu.memory_space<vmem>>) dst(%dma_wait3A_39 : memref<128x128xf32, #tpu.memory_space<vmem_shared>>)
        tpu.yield
      }) : () -> ()
      %scan3A_33 = arith.constant 0 : i32
      scf.yield %scan3A_33 : i32
    }
    %scan3A_13 = arith.constant 5 : i32
    %barrier3A = arith.constant 0 : index
    tpu.barrier barrier_id(%barrier3A)
    %scan3A_14 = arith.constant 0 : i32
    %scan3A_15 = arith.constant 0 : i32
    %scan3A_16 = arith.constant 80 : i32
    %scan3A_17 = arith.addi %scan3A_15, %scan3A_16 : i32
    %scan3A_18 = arith.constant 1 : i32
    %scan3A_19 = scf.for %scan3A_26 = %scan3A_15 to %scan3A_17 step %scan3A_18 iter_args(%scan3A_27 = %scan3A_14) -> (i32)  : i32 {
      "tpu.region"() ({
        %run_scoped3A = tpu.sem_alloc : memref<!tpu.dma_semaphore, #tpu.memory_space<semaphore_mem>>
        %dma_start3A_33 = arith.constant 0 : i32
        %dma_start3A_34 = tpu.memref_slice %arg3[%add3A, %scan3A_26, %dma_start3A_33] : memref<32x80x128xi32, #tpu.memory_space<hbm>> -> memref<1x1x128xi32, #tpu.memory_space<hbm>>
        %dma_start3A_35 = tpu.memref_squeeze %dma_start3A_34 : memref<1x1x128xi32, #tpu.memory_space<hbm>> -> memref<128xi32, #tpu.memory_space<hbm>>
        %dma_start3A_36 = arith.constant 0 : i32
        %dma_start3A_37 = tpu.memref_slice %arg3[%add3A, %scan3A_26, %dma_start3A_36] : memref<32x80x128xi32, #tpu.memory_space<hbm>> -> memref<1x1x128xi32, #tpu.memory_space<hbm>>
        %dma_start3A_38 = tpu.memref_squeeze %dma_start3A_37 : memref<1x1x128xi32, #tpu.memory_space<hbm>> -> memref<128xi32, #tpu.memory_space<hbm>>
        tpu.enqueue_dma source(%dma_start3A_38 : memref<128xi32, #tpu.memory_space<hbm>>) target(%arg6 : memref<128xi32, #tpu.memory_space<vmem>>) target_semaphore(%run_scoped3A : memref<!tpu.dma_semaphore, #tpu.memory_space<semaphore_mem>>)
        %dma_wait3A_39 = arith.constant 0 : i32
        %dma_wait3A_40 = tpu.memref_slice %arg3[%add3A, %scan3A_26, %dma_wait3A_39] : memref<32x80x128xi32, #tpu.memory_space<hbm>> -> memref<1x1x128xi32, #tpu.memory_space<hbm>>
        %dma_wait3A_41 = tpu.memref_squeeze %dma_wait3A_40 : memref<1x1x128xi32, #tpu.memory_space<hbm>> -> memref<128xi32, #tpu.memory_space<hbm>>
        %dma_wait3A_42 = arith.constant 0 : i32
        %dma_wait3A_43 = tpu.memref_slice %arg3[%add3A, %scan3A_26, %dma_wait3A_42] : memref<32x80x128xi32, #tpu.memory_space<hbm>> -> memref<1x1x128xi32, #tpu.memory_space<hbm>>
        %dma_wait3A_44 = tpu.memref_squeeze %dma_wait3A_43 : memref<1x1x128xi32, #tpu.memory_space<hbm>> -> memref<128xi32, #tpu.memory_space<hbm>>
        tpu.wait_dma2 semaphore(%run_scoped3A : memref<!tpu.dma_semaphore, #tpu.memory_space<semaphore_mem>>) src(%dma_wait3A_44 : memref<128xi32, #tpu.memory_space<hbm>>) dst(%arg6 : memref<128xi32, #tpu.memory_space<vmem>>)
        tpu.yield
      }) : () -> ()
      "tpu.region"() ({
        %run_scoped3A = tpu.sem_alloc : memref<!tpu.dma_semaphore, #tpu.memory_space<semaphore_mem>>
        %dma_start3A_33 = arith.constant 0 : i32
        %dma_start3A_34 = tpu.memref_slice %arg4[%add3A, %scan3A_26, %dma_start3A_33] : memref<32x80x128xi32, #tpu.memory_space<hbm>> -> memref<1x1x128xi32, #tpu.memory_space<hbm>>
        %dma_start3A_35 = tpu.memref_squeeze %dma_start3A_34 : memref<1x1x128xi32, #tpu.memory_space<hbm>> -> memref<128xi32, #tpu.memory_space<hbm>>
        %dma_start3A_36 = arith.constant 0 : i32
        %dma_start3A_37 = tpu.memref_slice %arg4[%add3A, %scan3A_26, %dma_start3A_36] : memref<32x80x128xi32, #tpu.memory_space<hbm>> -> memref<1x1x128xi32, #tpu.memory_space<hbm>>
        %dma_start3A_38 = tpu.memref_squeeze %dma_start3A_37 : memref<1x1x128xi32, #tpu.memory_space<hbm>> -> memref<128xi32, #tpu.memory_space<hbm>>
        tpu.enqueue_dma source(%dma_start3A_38 : memref<128xi32, #tpu.memory_space<hbm>>) target(%arg7 : memref<128xi32, #tpu.memory_space<vmem>>) target_semaphore(%run_scoped3A : memref<!tpu.dma_semaphore, #tpu.memory_space<semaphore_mem>>)
        %dma_wait3A_39 = arith.constant 0 : i32
        %dma_wait3A_40 = tpu.memref_slice %arg4[%add3A, %scan3A_26, %dma_wait3A_39] : memref<32x80x128xi32, #tpu.memory_space<hbm>> -> memref<1x1x128xi32, #tpu.memory_space<hbm>>
        %dma_wait3A_41 = tpu.memref_squeeze %dma_wait3A_40 : memref<1x1x128xi32, #tpu.memory_space<hbm>> -> memref<128xi32, #tpu.memory_space<hbm>>
        %dma_wait3A_42 = arith.constant 0 : i32
        %dma_wait3A_43 = tpu.memref_slice %arg4[%add3A, %scan3A_26, %dma_wait3A_42] : memref<32x80x128xi32, #tpu.memory_space<hbm>> -> memref<1x1x128xi32, #tpu.memory_space<hbm>>
        %dma_wait3A_44 = tpu.memref_squeeze %dma_wait3A_43 : memref<1x1x128xi32, #tpu.memory_space<hbm>> -> memref<128xi32, #tpu.memory_space<hbm>>
        tpu.wait_dma2 semaphore(%run_scoped3A : memref<!tpu.dma_semaphore, #tpu.memory_space<semaphore_mem>>) src(%dma_wait3A_44 : memref<128xi32, #tpu.memory_space<hbm>>) dst(%arg7 : memref<128xi32, #tpu.memory_space<vmem>>)
        tpu.yield
      }) : () -> ()
      %dma_start3A = arith.constant 0 : i32
      %dma_start3A_28 = arith.constant 0 : i32
      %dma_start3A_29 = tpu.memref_slice %arg2[%dma_start3A, %dma_start3A_28] : memref<10000x128xf32, #tpu.memory_space<hbm>> -> memref<10000x128xf32, #tpu.memory_space<hbm>>
      tpu.enqueue_indirect_dma source(%dma_start3A_29 : memref<10000x128xf32, #tpu.memory_space<hbm>>) target(%arg8 : memref<128x128xf32, #tpu.memory_space<vmem>>) offsets(%arg6 : memref<128xi32, #tpu.memory_space<vmem>>) semaphore(%arg11 : memref<!tpu.dma_semaphore, #tpu.memory_space<semaphore_mem>>)
      %dma_wait3A = arith.constant 0 : i32
      %dma_wait3A_30 = arith.constant 0 : i32
      %dma_wait3A_31 = tpu.memref_slice %arg2[%dma_wait3A, %dma_wait3A_30] : memref<10000x128xf32, #tpu.memory_space<hbm>> -> memref<10000x128xf32, #tpu.memory_space<hbm>>
      tpu.wait_indirect_dma semaphore(%arg11 : memref<!tpu.dma_semaphore, #tpu.memory_space<semaphore_mem>>) src(%dma_wait3A_31 : memref<10000x128xf32, #tpu.memory_space<hbm>>) dst(%arg8 : memref<128x128xf32, #tpu.memory_space<vmem>>)
      "tpu.region"() ({
        %run_scoped3A = tpu.sem_alloc : memref<!tpu.dma_semaphore, #tpu.memory_space<semaphore_mem>>
        %dma_start3A_33 = arith.constant 0 : i32
        %dma_start3A_34 = arith.constant 0 : i32
        %dma_start3A_35 = tpu.memref_slice %arg10[%dma_start3A_33, %dma_start3A_34] : memref<10240x128xf32, #tpu.memory_space<vmem_shared>> -> memref<10240x128xf32, #tpu.memory_space<vmem_shared>>
        tpu.enqueue_indirect_dma source(%arg8 : memref<128x128xf32, #tpu.memory_space<vmem>>) target(%dma_start3A_35 : memref<10240x128xf32, #tpu.memory_space<vmem_shared>>) offsets(%arg7 : memref<128xi32, #tpu.memory_space<vmem>>) semaphore(%run_scoped3A : memref<!tpu.dma_semaphore, #tpu.memory_space<semaphore_mem>>) {add = true}
        %dma_wait3A_36 = arith.constant 0 : i32
        %dma_wait3A_37 = arith.constant 0 : i32
        %dma_wait3A_38 = tpu.memref_slice %arg10[%dma_wait3A_36, %dma_wait3A_37] : memref<10240x128xf32, #tpu.memory_space<vmem_shared>> -> memref<10240x128xf32, #tpu.memory_space<vmem_shared>>
        tpu.wait_indirect_dma semaphore(%run_scoped3A : memref<!tpu.dma_semaphore, #tpu.memory_space<semaphore_mem>>) src(%arg8 : memref<128x128xf32, #tpu.memory_space<vmem>>) dst(%dma_wait3A_38 : memref<10240x128xf32, #tpu.memory_space<vmem_shared>>)
        tpu.yield
      }) : () -> ()
      %scan3A_32 = arith.constant 0 : i32
      scf.yield %scan3A_32 : i32
    }
    %scan3A_20 = arith.constant 80 : i32
    %barrier3A_21 = arith.constant 0 : index
    tpu.barrier barrier_id(%barrier3A_21)
    %mul3A_22 = arith.constant 640 : i32
    %mul3A_23 = arith.muli %arg1, %mul3A_22 : i32
    %mul3A_24 = arith.constant 640 : i32
    %mul3A_25 = arith.muli %arg1, %mul3A_24 : i32
    "tpu.region"() ({
      %run_scoped3A = tpu.sem_alloc : memref<!tpu.dma_semaphore, #tpu.memory_space<semaphore_mem>>
      %dma_start3A = arith.constant 0 : i32
      %dma_start3A_26 = tpu.memref_slice %arg5[%arg0, %mul3A_25, %dma_start3A] : memref<2x10240x128xf32, #tpu.memory_space<hbm>> -> memref<1x640x128xf32, #tpu.memory_space<hbm>>
      %dma_start3A_27 = tpu.memref_squeeze %dma_start3A_26 : memref<1x640x128xf32, #tpu.memory_space<hbm>> -> memref<640x128xf32, #tpu.memory_space<hbm>>
      %dma_start3A_28 = arith.constant 0 : i32
      %dma_start3A_29 = tpu.memref_slice %arg10[%mul3A_23, %dma_start3A_28] : memref<10240x128xf32, #tpu.memory_space<vmem_shared>> -> memref<640x128xf32, #tpu.memory_space<vmem_shared>>
      tpu.enqueue_dma source(%dma_start3A_29 : memref<640x128xf32, #tpu.memory_space<vmem_shared>>) target(%dma_start3A_27 : memref<640x128xf32, #tpu.memory_space<hbm>>) target_semaphore(%run_scoped3A : memref<!tpu.dma_semaphore, #tpu.memory_space<semaphore_mem>>)
      %dma_wait3A = arith.constant 0 : i32
      %dma_wait3A_30 = tpu.memref_slice %arg5[%arg0, %mul3A_25, %dma_wait3A] : memref<2x10240x128xf32, #tpu.memory_space<hbm>> -> memref<1x640x128xf32, #tpu.memory_space<hbm>>
      %dma_wait3A_31 = tpu.memref_squeeze %dma_wait3A_30 : memref<1x640x128xf32, #tpu.memory_space<hbm>> -> memref<640x128xf32, #tpu.memory_space<hbm>>
      %dma_wait3A_32 = arith.constant 0 : i32
      %dma_wait3A_33 = tpu.memref_slice %arg10[%mul3A_23, %dma_wait3A_32] : memref<10240x128xf32, #tpu.memory_space<vmem_shared>> -> memref<640x128xf32, #tpu.memory_space<vmem_shared>>
      tpu.wait_dma2 semaphore(%run_scoped3A : memref<!tpu.dma_semaphore, #tpu.memory_space<semaphore_mem>>) src(%dma_wait3A_33 : memref<640x128xf32, #tpu.memory_space<vmem_shared>>) dst(%dma_wait3A_31 : memref<640x128xf32, #tpu.memory_space<hbm>>)
      tpu.yield
    }) : () -> ()
    return
  }
}

#map = affine_map<(d0, d1) -> (0, 0)>
#map1 = affine_map<(d0, d1) -> (0, 0, 0)>
module attributes {stable_mosaic.version = 14 : i64} {
  func.func @edge_kernel(%arg0: i32, %arg1: i32, %arg2: memref<10000x128xf32, #tpu.memory_space<hbm>>, %arg3: memref<32x80x128xi32, #tpu.memory_space<hbm>>, %arg4: memref<32x80x128xi32, #tpu.memory_space<hbm>>, %arg5: memref<2x10240x128xf32, #tpu.memory_space<hbm>>, %arg6: memref<128xi32, #tpu.memory_space<vmem>>, %arg7: memref<128xi32, #tpu.memory_space<vmem>>, %arg8: memref<128x128xf32, #tpu.memory_space<vmem>>, %arg9: memref<128x128xf32, #tpu.memory_space<vmem>>, %arg10: memref<10240x128xf32, #tpu.memory_space<vmem_shared>>, %arg11: memref<!tpu.dma_semaphore, #tpu.memory_space<semaphore_mem>>, %arg12: memref<!tpu.dma_semaphore, #tpu.memory_space<semaphore_mem>>) attributes {dimension_semantics = [#tpu.dimension_semantics<core_parallel>, #tpu.dimension_semantics<subcore_parallel>], iteration_bounds = array<i64: 2, 16>, scalar_prefetch = 0 : i64, scratch_operands = 7 : i64, tpu.core_type = #tpu.core_type<sc_vector_subcore>, window_params = [{transform_indices = #map}, {transform_indices = #map1}, {transform_indices = #map1}, {transform_indices = #map1}]} {
    %mul3A = arith.constant 2 : i32
    %mul3A_0 = arith.muli %arg1, %mul3A : i32
    %add3A = arith.addi %mul3A_0, %arg0 : i32
    %scan3A = arith.constant 0 : i32
    %scan3A_1 = arith.constant 0 : i32
    %scan3A_2 = arith.constant 128 : i32
    %scan3A_3 = arith.addi %scan3A_1, %scan3A_2 : i32
    %scan3A_4 = arith.constant 1 : i32
    %scan3A_5 = scf.for %scan3A_26 = %scan3A_1 to %scan3A_3 step %scan3A_4 iter_args(%scan3A_27 = %scan3A) -> (i32)  : i32 {
      %scan3A_28 = arith.constant 0 : i32
      %scan3A_29 = arith.constant 0 : i32
      %scan3A_30 = arith.constant 8 : i32
      %scan3A_31 = arith.addi %scan3A_29, %scan3A_30 : i32
      %scan3A_32 = arith.constant 1 : i32
      %scan3A_33 = scf.for %scan3A_35 = %scan3A_29 to %scan3A_31 step %scan3A_32 iter_args(%scan3A_36 = %scan3A_28) -> (i32)  : i32 {
        %broadcast_in_dim3A = arith.constant 0.000000e+00 : f32
        %broadcast_in_dim3A_37 = vector.broadcast %broadcast_in_dim3A : f32 to vector<16xf32>
        %mul3A_38 = arith.constant 16 : i32
        %mul3A_39 = arith.muli %scan3A_35, %mul3A_38 : i32
        %swap3A = arith.index_cast %scan3A_26 : i32 to index
        %swap3A_40 = arith.index_cast %mul3A_39 : i32 to index
        %swap3A_41 = tpu.vector_load %arg8[%swap3A, %swap3A_40] {strides = array<i32>} : memref<128x128xf32, #tpu.memory_space<vmem>>, vector<1x16xf32>,
        %swap3A_42 = vector.shape_cast %swap3A_41 : vector<1x16xf32> to vector<16xf32>
        %swap3A_43 = vector.shape_cast %broadcast_in_dim3A_37 : vector<16xf32> to vector<1x16xf32>
        tpu.vector_store %arg8[%swap3A, %swap3A_40], %swap3A_43 {strides = array<i32>} : memref<128x128xf32, #tpu.memory_space<vmem>>, vector<1x16xf32>,
        %scan3A_44 = arith.constant 0 : i32
        scf.yield %scan3A_44 : i32
      }
      %scan3A_34 = arith.constant 8 : i32
      scf.yield %scan3A_33 : i32
    }
    %scan3A_6 = arith.constant 128 : i32
    %scan3A_7 = arith.constant 0 : i32
    %scan3A_8 = arith.constant 0 : i32
    %scan3A_9 = arith.constant 5 : i32
    %scan3A_10 = arith.addi %scan3A_8, %scan3A_9 : i32
    %scan3A_11 = arith.constant 1 : i32
    %scan3A_12 = scf.for %scan3A_26 = %scan3A_8 to %scan3A_10 step %scan3A_11 iter_args(%scan3A_27 = %scan3A_7) -> (i32)  : i32 {
      %mul3A_28 = arith.constant 640 : i32
      %mul3A_29 = arith.muli %arg1, %mul3A_28 : i32
      %mul3A_30 = arith.constant 128 : i32
      %mul3A_31 = arith.muli %scan3A_26, %mul3A_30 : i32
      %add3A_32 = arith.addi %mul3A_29, %mul3A_31 : i32
      "tpu.region"() ({
        %run_scoped3A = tpu.sem_alloc : memref<!tpu.dma_semaphore, #tpu.memory_space<semaphore_mem>>
        %dma_start3A = arith.constant 0 : i32
        %dma_start3A_34 = tpu.memref_slice %arg10[%add3A_32, %dma_start3A] : memref<10240x128xf32, #tpu.memory_space<vmem_shared>> -> memref<128x128xf32, #tpu.memory_space<vmem_shared>>
        %dma_start3A_35 = arith.constant 0 : i32
        %dma_start3A_36 = tpu.memref_slice %arg10[%add3A_32, %dma_start3A_35] : memref<10240x128xf32, #tpu.memory_space<vmem_shared>> -> memref<128x128xf32, #tpu.memory_space<vmem_shared>>
        tpu.enqueue_dma source(%arg8 : memref<128x128xf32, #tpu.memory_space<vmem>>) target(%dma_start3A_36 : memref<128x128xf32, #tpu.memory_space<vmem_shared>>) target_semaphore(%run_scoped3A : memref<!tpu.dma_semaphore, #tpu.memory_space<semaphore_mem>>)
        %dma_wait3A = arith.constant 0 : i32
        %dma_wait3A_37 = tpu.memref_slice %arg10[%add3A_32, %dma_wait3A] : memref<10240x128xf32, #tpu.memory_space<vmem_shared>> -> memref<128x128xf32, #tpu.memory_space<vmem_shared>>
        %dma_wait3A_38 = arith.constant 0 : i32
        %dma_wait3A_39 = tpu.memref_slice %arg10[%add3A_32, %dma_wait3A_38] : memref<10240x128xf32, #tpu.memory_space<vmem_shared>> -> memref<128x128xf32, #tpu.memory_space<vmem_shared>>
        tpu.wait_dma2 semaphore(%run_scoped3A : memref<!tpu.dma_semaphore, #tpu.memory_space<semaphore_mem>>) src(%arg8 : memref<128x128xf32, #tpu.memory_space<vmem>>) dst(%dma_wait3A_39 : memref<128x128xf32, #tpu.memory_space<vmem_shared>>)
        tpu.yield
      }) : () -> ()
      %scan3A_33 = arith.constant 0 : i32
      scf.yield %scan3A_33 : i32
    }
    %scan3A_13 = arith.constant 5 : i32
    %barrier3A = arith.constant 0 : index
    tpu.barrier barrier_id(%barrier3A)
    %scan3A_14 = arith.constant 0 : i32
    %scan3A_15 = arith.constant 0 : i32
    %scan3A_16 = arith.constant 80 : i32
    %scan3A_17 = arith.addi %scan3A_15, %scan3A_16 : i32
    %scan3A_18 = arith.constant 1 : i32
    %scan3A_19 = scf.for %scan3A_26 = %scan3A_15 to %scan3A_17 step %scan3A_18 iter_args(%scan3A_27 = %scan3A_14) -> (i32)  : i32 {
      "tpu.region"() ({
        %run_scoped3A = tpu.sem_alloc : memref<!tpu.dma_semaphore, #tpu.memory_space<semaphore_mem>>
        %dma_start3A_33 = arith.constant 0 : i32
        %dma_start3A_34 = tpu.memref_slice %arg3[%add3A, %scan3A_26, %dma_start3A_33] : memref<32x80x128xi32, #tpu.memory_space<hbm>> -> memref<1x1x128xi32, #tpu.memory_space<hbm>>
        %dma_start3A_35 = tpu.memref_squeeze %dma_start3A_34 : memref<1x1x128xi32, #tpu.memory_space<hbm>> -> memref<128xi32, #tpu.memory_space<hbm>>
        %dma_start3A_36 = arith.constant 0 : i32
        %dma_start3A_37 = tpu.memref_slice %arg3[%add3A, %scan3A_26, %dma_start3A_36] : memref<32x80x128xi32, #tpu.memory_space<hbm>> -> memref<1x1x128xi32, #tpu.memory_space<hbm>>
        %dma_start3A_38 = tpu.memref_squeeze %dma_start3A_37 : memref<1x1x128xi32, #tpu.memory_space<hbm>> -> memref<128xi32, #tpu.memory_space<hbm>>
        tpu.enqueue_dma source(%dma_start3A_38 : memref<128xi32, #tpu.memory_space<hbm>>) target(%arg6 : memref<128xi32, #tpu.memory_space<vmem>>) target_semaphore(%run_scoped3A : memref<!tpu.dma_semaphore, #tpu.memory_space<semaphore_mem>>)
        %dma_wait3A_39 = arith.constant 0 : i32
        %dma_wait3A_40 = tpu.memref_slice %arg3[%add3A, %scan3A_26, %dma_wait3A_39] : memref<32x80x128xi32, #tpu.memory_space<hbm>> -> memref<1x1x128xi32, #tpu.memory_space<hbm>>
        %dma_wait3A_41 = tpu.memref_squeeze %dma_wait3A_40 : memref<1x1x128xi32, #tpu.memory_space<hbm>> -> memref<128xi32, #tpu.memory_space<hbm>>
        %dma_wait3A_42 = arith.constant 0 : i32
        %dma_wait3A_43 = tpu.memref_slice %arg3[%add3A, %scan3A_26, %dma_wait3A_42] : memref<32x80x128xi32, #tpu.memory_space<hbm>> -> memref<1x1x128xi32, #tpu.memory_space<hbm>>
        %dma_wait3A_44 = tpu.memref_squeeze %dma_wait3A_43 : memref<1x1x128xi32, #tpu.memory_space<hbm>> -> memref<128xi32, #tpu.memory_space<hbm>>
        tpu.wait_dma2 semaphore(%run_scoped3A : memref<!tpu.dma_semaphore, #tpu.memory_space<semaphore_mem>>) src(%dma_wait3A_44 : memref<128xi32, #tpu.memory_space<hbm>>) dst(%arg6 : memref<128xi32, #tpu.memory_space<vmem>>)
        tpu.yield
      }) : () -> ()
      "tpu.region"() ({
        %run_scoped3A = tpu.sem_alloc : memref<!tpu.dma_semaphore, #tpu.memory_space<semaphore_mem>>
        %dma_start3A_33 = arith.constant 0 : i32
        %dma_start3A_34 = tpu.memref_slice %arg4[%add3A, %scan3A_26, %dma_start3A_33] : memref<32x80x128xi32, #tpu.memory_space<hbm>> -> memref<1x1x128xi32, #tpu.memory_space<hbm>>
        %dma_start3A_35 = tpu.memref_squeeze %dma_start3A_34 : memref<1x1x128xi32, #tpu.memory_space<hbm>> -> memref<128xi32, #tpu.memory_space<hbm>>
        %dma_start3A_36 = arith.constant 0 : i32
        %dma_start3A_37 = tpu.memref_slice %arg4[%add3A, %scan3A_26, %dma_start3A_36] : memref<32x80x128xi32, #tpu.memory_space<hbm>> -> memref<1x1x128xi32, #tpu.memory_space<hbm>>
        %dma_start3A_38 = tpu.memref_squeeze %dma_start3A_37 : memref<1x1x128xi32, #tpu.memory_space<hbm>> -> memref<128xi32, #tpu.memory_space<hbm>>
        tpu.enqueue_dma source(%dma_start3A_38 : memref<128xi32, #tpu.memory_space<hbm>>) target(%arg7 : memref<128xi32, #tpu.memory_space<vmem>>) target_semaphore(%run_scoped3A : memref<!tpu.dma_semaphore, #tpu.memory_space<semaphore_mem>>)
        %dma_wait3A_39 = arith.constant 0 : i32
        %dma_wait3A_40 = tpu.memref_slice %arg4[%add3A, %scan3A_26, %dma_wait3A_39] : memref<32x80x128xi32, #tpu.memory_space<hbm>> -> memref<1x1x128xi32, #tpu.memory_space<hbm>>
        %dma_wait3A_41 = tpu.memref_squeeze %dma_wait3A_40 : memref<1x1x128xi32, #tpu.memory_space<hbm>> -> memref<128xi32, #tpu.memory_space<hbm>>
        %dma_wait3A_42 = arith.constant 0 : i32
        %dma_wait3A_43 = tpu.memref_slice %arg4[%add3A, %scan3A_26, %dma_wait3A_42] : memref<32x80x128xi32, #tpu.memory_space<hbm>> -> memref<1x1x128xi32, #tpu.memory_space<hbm>>
        %dma_wait3A_44 = tpu.memref_squeeze %dma_wait3A_43 : memref<1x1x128xi32, #tpu.memory_space<hbm>> -> memref<128xi32, #tpu.memory_space<hbm>>
        tpu.wait_dma2 semaphore(%run_scoped3A : memref<!tpu.dma_semaphore, #tpu.memory_space<semaphore_mem>>) src(%dma_wait3A_44 : memref<128xi32, #tpu.memory_space<hbm>>) dst(%arg7 : memref<128xi32, #tpu.memory_space<vmem>>)
        tpu.yield
      }) : () -> ()
      %dma_start3A = arith.constant 0 : i32
      %dma_start3A_28 = arith.constant 0 : i32
      %dma_start3A_29 = tpu.memref_slice %arg2[%dma_start3A, %dma_start3A_28] : memref<10000x128xf32, #tpu.memory_space<hbm>> -> memref<10000x128xf32, #tpu.memory_space<hbm>>
      tpu.enqueue_indirect_dma source(%dma_start3A_29 : memref<10000x128xf32, #tpu.memory_space<hbm>>) target(%arg8 : memref<128x128xf32, #tpu.memory_space<vmem>>) offsets(%arg6 : memref<128xi32, #tpu.memory_space<vmem>>) semaphore(%arg11 : memref<!tpu.dma_semaphore, #tpu.memory_space<semaphore_mem>>)
      %dma_wait3A = arith.constant 0 : i32
      %dma_wait3A_30 = arith.constant 0 : i32
      %dma_wait3A_31 = tpu.memref_slice %arg2[%dma_wait3A, %dma_wait3A_30] : memref<10000x128xf32, #tpu.memory_space<hbm>> -> memref<10000x128xf32, #tpu.memory_space<hbm>>
      tpu.wait_indirect_dma semaphore(%arg11 : memref<!tpu.dma_semaphore, #tpu.memory_space<semaphore_mem>>) src(%dma_wait3A_31 : memref<10000x128xf32, #tpu.memory_space<hbm>>) dst(%arg8 : memref<128x128xf32, #tpu.memory_space<vmem>>)
      "tpu.region"() ({
        %run_scoped3A = tpu.sem_alloc : memref<!tpu.dma_semaphore, #tpu.memory_space<semaphore_mem>>
        %dma_start3A_33 = arith.constant 0 : i32
        %dma_start3A_34 = arith.constant 0 : i32
        %dma_start3A_35 = tpu.memref_slice %arg10[%dma_start3A_33, %dma_start3A_34] : memref<10240x128xf32, #tpu.memory_space<vmem_shared>> -> memref<10240x128xf32, #tpu.memory_space<vmem_shared>>
        tpu.enqueue_indirect_dma source(%arg8 : memref<128x128xf32, #tpu.memory_space<vmem>>) target(%dma_start3A_35 : memref<10240x128xf32, #tpu.memory_space<vmem_shared>>) offsets(%arg7 : memref<128xi32, #tpu.memory_space<vmem>>) semaphore(%run_scoped3A : memref<!tpu.dma_semaphore, #tpu.memory_space<semaphore_mem>>) {add = true}
        %dma_wait3A_36 = arith.constant 0 : i32
        %dma_wait3A_37 = arith.constant 0 : i32
        %dma_wait3A_38 = tpu.memref_slice %arg10[%dma_wait3A_36, %dma_wait3A_37] : memref<10240x128xf32, #tpu.memory_space<vmem_shared>> -> memref<10240x128xf32, #tpu.memory_space<vmem_shared>>
        tpu.wait_indirect_dma semaphore(%run_scoped3A : memref<!tpu.dma_semaphore, #tpu.memory_space<semaphore_mem>>) src(%arg8 : memref<128x128xf32, #tpu.memory_space<vmem>>) dst(%dma_wait3A_38 : memref<10240x128xf32, #tpu.memory_space<vmem_shared>>)
        tpu.yield
      }) : () -> ()
      %scan3A_32 = arith.constant 0 : i32
      scf.yield %scan3A_32 : i32
    }
    %scan3A_20 = arith.constant 80 : i32
    %barrier3A_21 = arith.constant 0 : index
    tpu.barrier barrier_id(%barrier3A_21)
    %mul3A_22 = arith.constant 640 : i32
    %mul3A_23 = arith.muli %arg1, %mul3A_22 : i32
    %mul3A_24 = arith.constant 640 : i32
    %mul3A_25 = arith.muli %arg1, %mul3A_24 : i32
    "tpu.region"() ({
      %run_scoped3A = tpu.sem_alloc : memref<!tpu.dma_semaphore, #tpu.memory_space<semaphore_mem>>
      %dma_start3A = arith.constant 0 : i32
      %dma_start3A_26 = tpu.memref_slice %arg5[%arg0, %mul3A_25, %dma_start3A] : memref<2x10240x128xf32, #tpu.memory_space<hbm>> -> memref<1x640x128xf32, #tpu.memory_space<hbm>>
      %dma_start3A_27 = tpu.memref_squeeze %dma_start3A_26 : memref<1x640x128xf32, #tpu.memory_space<hbm>> -> memref<640x128xf32, #tpu.memory_space<hbm>>
      %dma_start3A_28 = arith.constant 0 : i32
      %dma_start3A_29 = tpu.memref_slice %arg10[%mul3A_23, %dma_start3A_28] : memref<10240x128xf32, #tpu.memory_space<vmem_shared>> -> memref<640x128xf32, #tpu.memory_space<vmem_shared>>
      tpu.enqueue_dma source(%dma_start3A_29 : memref<640x128xf32, #tpu.memory_space<vmem_shared>>) target(%dma_start3A_27 : memref<640x128xf32, #tpu.memory_space<hbm>>) target_semaphore(%run_scoped3A : memref<!tpu.dma_semaphore, #tpu.memory_space<semaphore_mem>>)
      %dma_wait3A = arith.constant 0 : i32
      %dma_wait3A_30 = tpu.memref_slice %arg5[%arg0, %mul3A_25, %dma_wait3A] : memref<2x10240x128xf32, #tpu.memory_space<hbm>> -> memref<1x640x128xf32, #tpu.memory_space<hbm>>
      %dma_wait3A_31 = tpu.memref_squeeze %dma_wait3A_30 : memref<1x640x128xf32, #tpu.memory_space<hbm>> -> memref<640x128xf32, #tpu.memory_space<hbm>>
      %dma_wait3A_32 = arith.constant 0 : i32
      %dma_wait3A_33 = tpu.memref_slice %arg10[%mul3A_23, %dma_wait3A_32] : memref<10240x128xf32, #tpu.memory_space<vmem_shared>> -> memref<640x128xf32, #tpu.memory_space<vmem_shared>>
      tpu.wait_dma2 semaphore(%run_scoped3A : memref<!tpu.dma_semaphore, #tpu.memory_space<semaphore_mem>>) src(%dma_wait3A_33 : memref<640x128xf32, #tpu.memory_space<vmem_shared>>) dst(%dma_wait3A_31 : memref<640x128xf32, #tpu.memory_space<hbm>>)
      tpu.yield
    }) : () -> ()
    return
  }
}

module attributes {stable_mosaic.version = 14 : i64} {
  func.func @_mid_body(%arg0: memref<2x10240x128xf32, #tpu.memory_space<vmem>>, %arg1: memref<10000x128xf32, #tpu.memory_space<vmem>>, %arg2: memref<10000x1xf32, #tpu.memory_space<vmem>>, %arg3: memref<1x128xf32, #tpu.memory_space<vmem>>, %arg4: memref<1x128xf32, #tpu.memory_space<vmem>>, %arg5: memref<1x128xf32, #tpu.memory_space<vmem>>, %arg6: memref<128x128xf32, #tpu.memory_space<vmem>>, %arg7: memref<10000x128xf32, #tpu.memory_space<vmem>>) attributes {dimension_semantics = [], scalar_prefetch = 0 : i64, scratch_operands = 0 : i64, tpu.core_type = #tpu.core_type<tc>} {
    %get3A = arith.constant 0 : index
    %get3A_0 = arith.constant 0 : index
    %get3A_1 = vector.load %arg2[%get3A, %get3A_0] : memref<10000x1xf32, #tpu.memory_space<vmem>>, vector<10000x1xf32>
    %get3A_2 = arith.constant 0 : index
    %get3A_3 = arith.constant 0 : index
    %get3A_4 = arith.constant 0 : index
    %get3A_5 = vector.load %arg0[%get3A_2, %get3A_3, %get3A_4] : memref<2x10240x128xf32, #tpu.memory_space<vmem>>, vector<1x10000x128xf32>
    %get3A_6 = vector.shape_cast %get3A_5 : vector<1x10000x128xf32> to vector<10000x128xf32>
    %get3A_7 = arith.constant 1 : index
    %get3A_8 = arith.constant 0 : index
    %get3A_9 = arith.constant 0 : index
    %get3A_10 = vector.load %arg0[%get3A_7, %get3A_8, %get3A_9] : memref<2x10240x128xf32, #tpu.memory_space<vmem>>, vector<1x10000x128xf32>
    %get3A_11 = vector.shape_cast %get3A_10 : vector<1x10000x128xf32> to vector<10000x128xf32>
    %add3A = arith.addf %get3A_6, %get3A_11 : vector<10000x128xf32>
    %get3A_12 = arith.constant 0 : index
    %get3A_13 = arith.constant 0 : index
    %get3A_14 = vector.load %arg1[%get3A_12, %get3A_13] : memref<10000x128xf32, #tpu.memory_space<vmem>>, vector<10000x128xf32>
    %add3A_15 = arith.addf %add3A, %get3A_14 : vector<10000x128xf32>
    %mul3A = vector.broadcast %get3A_1 : vector<10000x1xf32> to vector<10000x128xf32>
    %mul3A_16 = arith.mulf %add3A_15, %mul3A : vector<10000x128xf32>
    %get3A_17 = arith.constant 0 : index
    %get3A_18 = arith.constant 0 : index
    %get3A_19 = vector.load %arg3[%get3A_17, %get3A_18] : memref<1x128xf32, #tpu.memory_space<vmem>>, vector<1x128xf32>
    %add3A_20 = vector.broadcast %get3A_19 : vector<1x128xf32> to vector<10000x128xf32>
    %add3A_21 = arith.addf %mul3A_16, %add3A_20 : vector<10000x128xf32>
    %reduce_sum3A = arith.constant dense<0.000000e+00> : vector<128xf32>
    %reduce_sum3A_22 = vector.multi_reduction <add>, %add3A_21, %reduce_sum3A [0] : vector<10000x128xf32> to vector<128xf32>
    %broadcast_in_dim3A = vector.shape_cast %reduce_sum3A_22 : vector<128xf32> to vector<1x128xf32>
    %div3A = arith.constant 1.000000e+04 : f32
    %div3A_23 = vector.broadcast %div3A : f32 to vector<1x128xf32>
    %div3A_24 = arith.divf %broadcast_in_dim3A, %div3A_23 : vector<1x128xf32>
    %sub3A = vector.broadcast %div3A_24 : vector<1x128xf32> to vector<10000x128xf32>
    %sub3A_25 = arith.subf %add3A_21, %sub3A : vector<10000x128xf32>
    %sub3A_26 = vector.broadcast %div3A_24 : vector<1x128xf32> to vector<10000x128xf32>
    %sub3A_27 = arith.subf %add3A_21, %sub3A_26 : vector<10000x128xf32>
    %mul3A_28 = arith.mulf %sub3A_25, %sub3A_27 : vector<10000x128xf32>
    %reduce_sum3A_29 = arith.constant dense<0.000000e+00> : vector<128xf32>
    %reduce_sum3A_30 = vector.multi_reduction <add>, %mul3A_28, %reduce_sum3A_29 [0] : vector<10000x128xf32> to vector<128xf32>
    %broadcast_in_dim3A_31 = vector.shape_cast %reduce_sum3A_30 : vector<128xf32> to vector<1x128xf32>
    %div3A_32 = arith.constant 1.000000e+04 : f32
    %div3A_33 = vector.broadcast %div3A_32 : f32 to vector<1x128xf32>
    %div3A_34 = arith.divf %broadcast_in_dim3A_31, %div3A_33 : vector<1x128xf32>
    %get3A_35 = arith.constant 0 : index
    %get3A_36 = arith.constant 0 : index
    %get3A_37 = vector.load %arg4[%get3A_35, %get3A_36] : memref<1x128xf32, #tpu.memory_space<vmem>>, vector<1x128xf32>
    %sub3A_38 = vector.broadcast %div3A_24 : vector<1x128xf32> to vector<10000x128xf32>
    %sub3A_39 = arith.subf %add3A_21, %sub3A_38 : vector<10000x128xf32>
    %mul3A_40 = vector.broadcast %get3A_37 : vector<1x128xf32> to vector<10000x128xf32>
    %mul3A_41 = arith.mulf %mul3A_40, %sub3A_39 : vector<10000x128xf32>
    %add3A_42 = arith.constant 9.99999974E-6 : f32
    %add3A_43 = vector.broadcast %add3A_42 : f32 to vector<1x128xf32>
    %add3A_44 = arith.addf %div3A_34, %add3A_43 : vector<1x128xf32>
    %rsqrt3A = math.rsqrt %add3A_44 : vector<1x128xf32>
    %mul3A_45 = vector.broadcast %rsqrt3A : vector<1x128xf32> to vector<10000x128xf32>
    %mul3A_46 = arith.mulf %mul3A_41, %mul3A_45 : vector<10000x128xf32>
    %get3A_47 = arith.constant 0 : index
    %get3A_48 = arith.constant 0 : index
    %get3A_49 = vector.load %arg5[%get3A_47, %get3A_48] : memref<1x128xf32, #tpu.memory_space<vmem>>, vector<1x128xf32>
    %add3A_50 = vector.broadcast %get3A_49 : vector<1x128xf32> to vector<10000x128xf32>
    %add3A_51 = arith.addf %mul3A_46, %add3A_50 : vector<10000x128xf32>
    %max3A = arith.constant 0.000000e+00 : f32
    %max3A_52 = vector.broadcast %max3A : f32 to vector<10000x128xf32>
    %max3A_53 = arith.maximumf %add3A_51, %max3A_52 : vector<10000x128xf32>
    %get3A_54 = arith.constant 0 : index
    %get3A_55 = arith.constant 0 : index
    %get3A_56 = vector.load %arg6[%get3A_54, %get3A_55] : memref<128x128xf32, #tpu.memory_space<vmem>>, vector<128x128xf32>
    %dot_general3A = arith.constant dense<0.000000e+00> : vector<10000x128xf32>
    %dot_general3A_57 = tpu.matmul %max3A_53, %get3A_56, %dot_general3A {dimension_numbers = #tpu.dot_dimension_numbers<[1], [0], [0], [1], [0, 0, 1, 1], [], []>, transpose_lhs_hint = false} : vector<10000x128xf32>, vector<128x128xf32>, vector<10000x128xf32> -> vector<10000x128xf32>
    %get3A_58 = arith.constant 0 : index
    %get3A_59 = arith.constant 0 : index
    %get3A_60 = vector.load %arg2[%get3A_58, %get3A_59] : memref<10000x1xf32, #tpu.memory_space<vmem>>, vector<10000x1xf32>
    %mul3A_61 = vector.broadcast %get3A_60 : vector<10000x1xf32> to vector<10000x128xf32>
    %mul3A_62 = arith.mulf %dot_general3A_57, %mul3A_61 : vector<10000x128xf32>
    %swap3A = arith.constant 0 : index
    %swap3A_63 = arith.constant 0 : index
    %swap3A_64 = vector.load %arg7[%swap3A, %swap3A_63] : memref<10000x128xf32, #tpu.memory_space<vmem>>, vector<10000x128xf32>
    tpu.vector_store %arg7[%swap3A, %swap3A_63], %mul3A_62 {strides = array<i32>} : memref<10000x128xf32, #tpu.memory_space<vmem>>, vector<10000x128xf32>,
    return
  }
}

module attributes {stable_mosaic.version = 14 : i64} {
  func.func @_head_body(%arg0: memref<10000x128xf32, #tpu.memory_space<vmem>>, %arg1: memref<2x10240x128xf32, #tpu.memory_space<vmem>>, %arg2: memref<128x128xf32, #tpu.memory_space<vmem>>, %arg3: memref<10000x1xf32, #tpu.memory_space<vmem>>, %arg4: memref<10000x128xf32, #tpu.memory_space<vmem>>) attributes {dimension_semantics = [], scalar_prefetch = 0 : i64, scratch_operands = 0 : i64, tpu.core_type = #tpu.core_type<tc>} {
    %get3A = arith.constant 0 : index
    %get3A_0 = arith.constant 0 : index
    %get3A_1 = arith.constant 0 : index
    %get3A_2 = vector.load %arg1[%get3A, %get3A_0, %get3A_1] : memref<2x10240x128xf32, #tpu.memory_space<vmem>>, vector<1x10000x128xf32>
    %get3A_3 = vector.shape_cast %get3A_2 : vector<1x10000x128xf32> to vector<10000x128xf32>
    %get3A_4 = arith.constant 1 : index
    %get3A_5 = arith.constant 0 : index
    %get3A_6 = arith.constant 0 : index
    %get3A_7 = vector.load %arg1[%get3A_4, %get3A_5, %get3A_6] : memref<2x10240x128xf32, #tpu.memory_space<vmem>>, vector<1x10000x128xf32>
    %get3A_8 = vector.shape_cast %get3A_7 : vector<1x10000x128xf32> to vector<10000x128xf32>
    %add3A = arith.addf %get3A_3, %get3A_8 : vector<10000x128xf32>
    %slice3A = vector.extract_strided_slice %add3A {offsets = [0, 0], sizes = [10000, 1], strides = [1, 1]} : vector<10000x128xf32> to vector<10000x1xf32>
    %add3A_9 = arith.constant 1.000000e+00 : f32
    %add3A_10 = vector.broadcast %add3A_9 : f32 to vector<10000x1xf32>
    %add3A_11 = arith.addf %slice3A, %add3A_10 : vector<10000x1xf32>
    %rsqrt3A = math.rsqrt %add3A_11 : vector<10000x1xf32>
    %swap3A = arith.constant 0 : index
    %swap3A_12 = arith.constant 0 : index
    %swap3A_13 = vector.load %arg3[%swap3A, %swap3A_12] : memref<10000x1xf32, #tpu.memory_space<vmem>>, vector<10000x1xf32>
    tpu.vector_store %arg3[%swap3A, %swap3A_12], %rsqrt3A {strides = array<i32>} : memref<10000x1xf32, #tpu.memory_space<vmem>>, vector<10000x1xf32>,
    %get3A_14 = arith.constant 0 : index
    %get3A_15 = arith.constant 0 : index
    %get3A_16 = vector.load %arg0[%get3A_14, %get3A_15] : memref<10000x128xf32, #tpu.memory_space<vmem>>, vector<10000x128xf32>
    %get3A_17 = arith.constant 0 : index
    %get3A_18 = arith.constant 0 : index
    %get3A_19 = vector.load %arg2[%get3A_17, %get3A_18] : memref<128x128xf32, #tpu.memory_space<vmem>>, vector<128x128xf32>
    %dot_general3A = arith.constant dense<0.000000e+00> : vector<10000x128xf32>
    %dot_general3A_20 = tpu.matmul %get3A_16, %get3A_19, %dot_general3A {dimension_numbers = #tpu.dot_dimension_numbers<[1], [0], [0], [1], [0, 0, 1, 1], [], []>, transpose_lhs_hint = false} : vector<10000x128xf32>, vector<128x128xf32>, vector<10000x128xf32> -> vector<10000x128xf32>
    %mul3A = vector.broadcast %rsqrt3A : vector<10000x1xf32> to vector<10000x128xf32>
    %mul3A_21 = arith.mulf %dot_general3A_20, %mul3A : vector<10000x128xf32>
    %swap3A_22 = arith.constant 0 : index
    %swap3A_23 = arith.constant 0 : index
    %swap3A_24 = vector.load %arg4[%swap3A_22, %swap3A_23] : memref<10000x128xf32, #tpu.memory_space<vmem>>, vector<10000x128xf32>
    tpu.vector_store %arg4[%swap3A_22, %swap3A_23], %mul3A_21 {strides = array<i32>} : memref<10000x128xf32, #tpu.memory_space<vmem>>, vector<10000x128xf32>,
    return
  }
}

module attributes {stable_mosaic.version = 14 : i64} {
  func.func @_tail_body(%arg0: memref<2x10240x128xf32, #tpu.memory_space<vmem>>, %arg1: memref<10000x128xf32, #tpu.memory_space<vmem>>, %arg2: memref<10000x1xf32, #tpu.memory_space<vmem>>, %arg3: memref<1x128xf32, #tpu.memory_space<vmem>>, %arg4: memref<1x128xf32, #tpu.memory_space<vmem>>, %arg5: memref<1x128xf32, #tpu.memory_space<vmem>>, %arg6: memref<1x10000xi32, #tpu.memory_space<vmem>>, %arg7: memref<128x128xf32, #tpu.memory_space<vmem>>, %arg8: memref<1x128xf32, #tpu.memory_space<vmem>>, %arg9: memref<128x64xf32, #tpu.memory_space<vmem>>, %arg10: memref<1x64xf32, #tpu.memory_space<vmem>>, %arg11: memref<16x64xf32, #tpu.memory_space<vmem>>) attributes {dimension_semantics = [], scalar_prefetch = 0 : i64, scratch_operands = 0 : i64, tpu.core_type = #tpu.core_type<tc>} {
    %get3A = arith.constant 0 : index
    %get3A_0 = arith.constant 0 : index
    %get3A_1 = vector.load %arg2[%get3A, %get3A_0] : memref<10000x1xf32, #tpu.memory_space<vmem>>, vector<10000x1xf32>
    %get3A_2 = arith.constant 0 : index
    %get3A_3 = arith.constant 0 : index
    %get3A_4 = arith.constant 0 : index
    %get3A_5 = vector.load %arg0[%get3A_2, %get3A_3, %get3A_4] : memref<2x10240x128xf32, #tpu.memory_space<vmem>>, vector<1x10000x128xf32>
    %get3A_6 = vector.shape_cast %get3A_5 : vector<1x10000x128xf32> to vector<10000x128xf32>
    %get3A_7 = arith.constant 1 : index
    %get3A_8 = arith.constant 0 : index
    %get3A_9 = arith.constant 0 : index
    %get3A_10 = vector.load %arg0[%get3A_7, %get3A_8, %get3A_9] : memref<2x10240x128xf32, #tpu.memory_space<vmem>>, vector<1x10000x128xf32>
    %get3A_11 = vector.shape_cast %get3A_10 : vector<1x10000x128xf32> to vector<10000x128xf32>
    %add3A = arith.addf %get3A_6, %get3A_11 : vector<10000x128xf32>
    %get3A_12 = arith.constant 0 : index
    %get3A_13 = arith.constant 0 : index
    %get3A_14 = vector.load %arg1[%get3A_12, %get3A_13] : memref<10000x128xf32, #tpu.memory_space<vmem>>, vector<10000x128xf32>
    %add3A_15 = arith.addf %add3A, %get3A_14 : vector<10000x128xf32>
    %mul3A = vector.broadcast %get3A_1 : vector<10000x1xf32> to vector<10000x128xf32>
    %mul3A_16 = arith.mulf %add3A_15, %mul3A : vector<10000x128xf32>
    %get3A_17 = arith.constant 0 : index
    %get3A_18 = arith.constant 0 : index
    %get3A_19 = vector.load %arg3[%get3A_17, %get3A_18] : memref<1x128xf32, #tpu.memory_space<vmem>>, vector<1x128xf32>
    %add3A_20 = vector.broadcast %get3A_19 : vector<1x128xf32> to vector<10000x128xf32>
    %add3A_21 = arith.addf %mul3A_16, %add3A_20 : vector<10000x128xf32>
    %reduce_sum3A = arith.constant dense<0.000000e+00> : vector<128xf32>
    %reduce_sum3A_22 = vector.multi_reduction <add>, %add3A_21, %reduce_sum3A [0] : vector<10000x128xf32> to vector<128xf32>
    %broadcast_in_dim3A = vector.shape_cast %reduce_sum3A_22 : vector<128xf32> to vector<1x128xf32>
    %div3A = arith.constant 1.000000e+04 : f32
    %div3A_23 = vector.broadcast %div3A : f32 to vector<1x128xf32>
    %div3A_24 = arith.divf %broadcast_in_dim3A, %div3A_23 : vector<1x128xf32>
    %sub3A = vector.broadcast %div3A_24 : vector<1x128xf32> to vector<10000x128xf32>
    %sub3A_25 = arith.subf %add3A_21, %sub3A : vector<10000x128xf32>
    %sub3A_26 = vector.broadcast %div3A_24 : vector<1x128xf32> to vector<10000x128xf32>
    %sub3A_27 = arith.subf %add3A_21, %sub3A_26 : vector<10000x128xf32>
    %mul3A_28 = arith.mulf %sub3A_25, %sub3A_27 : vector<10000x128xf32>
    %reduce_sum3A_29 = arith.constant dense<0.000000e+00> : vector<128xf32>
    %reduce_sum3A_30 = vector.multi_reduction <add>, %mul3A_28, %reduce_sum3A_29 [0] : vector<10000x128xf32> to vector<128xf32>
    %broadcast_in_dim3A_31 = vector.shape_cast %reduce_sum3A_30 : vector<128xf32> to vector<1x128xf32>
    %div3A_32 = arith.constant 1.000000e+04 : f32
    %div3A_33 = vector.broadcast %div3A_32 : f32 to vector<1x128xf32>
    %div3A_34 = arith.divf %broadcast_in_dim3A_31, %div3A_33 : vector<1x128xf32>
    %get3A_35 = arith.constant 0 : index
    %get3A_36 = arith.constant 0 : index
    %get3A_37 = vector.load %arg4[%get3A_35, %get3A_36] : memref<1x128xf32, #tpu.memory_space<vmem>>, vector<1x128xf32>
    %sub3A_38 = vector.broadcast %div3A_24 : vector<1x128xf32> to vector<10000x128xf32>
    %sub3A_39 = arith.subf %add3A_21, %sub3A_38 : vector<10000x128xf32>
    %mul3A_40 = vector.broadcast %get3A_37 : vector<1x128xf32> to vector<10000x128xf32>
    %mul3A_41 = arith.mulf %mul3A_40, %sub3A_39 : vector<10000x128xf32>
    %add3A_42 = arith.constant 9.99999974E-6 : f32
    %add3A_43 = vector.broadcast %add3A_42 : f32 to vector<1x128xf32>
    %add3A_44 = arith.addf %div3A_34, %add3A_43 : vector<1x128xf32>
    %rsqrt3A = math.rsqrt %add3A_44 : vector<1x128xf32>
    %mul3A_45 = vector.broadcast %rsqrt3A : vector<1x128xf32> to vector<10000x128xf32>
    %mul3A_46 = arith.mulf %mul3A_41, %mul3A_45 : vector<10000x128xf32>
    %get3A_47 = arith.constant 0 : index
    %get3A_48 = arith.constant 0 : index
    %get3A_49 = vector.load %arg5[%get3A_47, %get3A_48] : memref<1x128xf32, #tpu.memory_space<vmem>>, vector<1x128xf32>
    %add3A_50 = vector.broadcast %get3A_49 : vector<1x128xf32> to vector<10000x128xf32>
    %add3A_51 = arith.addf %mul3A_46, %add3A_50 : vector<10000x128xf32>
    %max3A = arith.constant 0.000000e+00 : f32
    %max3A_52 = vector.broadcast %max3A : f32 to vector<10000x128xf32>
    %max3A_53 = arith.maximumf %add3A_51, %max3A_52 : vector<10000x128xf32>
    %iota3A = tpu.iota {dimensions = array<i32: 0>} : vector<16x10000xi32>
    %get3A_54 = arith.constant 0 : index
    %get3A_55 = arith.constant 0 : index
    %get3A_56 = vector.load %arg6[%get3A_54, %get3A_55] : memref<1x10000xi32, #tpu.memory_space<vmem>>, vector<1x10000xi32>
    %eq3A = vector.broadcast %get3A_56 : vector<1x10000xi32> to vector<16x10000xi32>
    %eq3A_57 = arith.cmpi eq, %iota3A, %eq3A : vector<16x10000xi32>
    %jit3A = arith.constant 1.000000e+00 : f32
    %jit3A_58 = arith.constant 0.000000e+00 : f32
    %broadcast_in_dim3A_59 = vector.broadcast %jit3A : f32 to vector<16x10000xf32>
    %broadcast_in_dim3A_60 = vector.broadcast %jit3A_58 : f32 to vector<16x10000xf32>
    %select_n3A = arith.select %eq3A_57, %broadcast_in_dim3A_59, %broadcast_in_dim3A_60 : vector<16x10000xi1>, vector<16x10000xf32>
    %dot_general3A = arith.constant dense<0.000000e+00> : vector<16x128xf32>
    %dot_general3A_61 = tpu.matmul %select_n3A, %max3A_53, %dot_general3A {dimension_numbers = #tpu.dot_dimension_numbers<[1], [0], [0], [1], [0, 0, 1, 1], [], []>, transpose_lhs_hint = false} : vector<16x10000xf32>, vector<10000x128xf32>, vector<16x128xf32> -> vector<16x128xf32>
    %reduce_sum3A_62 = arith.constant dense<0.000000e+00> : vector<16xf32>
    %reduce_sum3A_63 = vector.multi_reduction <add>, %select_n3A, %reduce_sum3A_62 [1] : vector<16x10000xf32> to vector<16xf32>
    %broadcast_in_dim3A_64 = vector.shape_cast %reduce_sum3A_63 : vector<16xf32> to vector<16x1xf32>
    %max3A_65 = arith.constant 1.000000e+00 : f32
    %max3A_66 = vector.broadcast %max3A_65 : f32 to vector<16x1xf32>
    %max3A_67 = arith.maximumf %broadcast_in_dim3A_64, %max3A_66 : vector<16x1xf32>
    %div3A_68 = vector.broadcast %max3A_67 : vector<16x1xf32> to vector<16x128xf32>
    %div3A_69 = arith.divf %dot_general3A_61, %div3A_68 : vector<16x128xf32>
    %get3A_70 = arith.constant 0 : index
    %get3A_71 = arith.constant 0 : index
    %get3A_72 = vector.load %arg7[%get3A_70, %get3A_71] : memref<128x128xf32, #tpu.memory_space<vmem>>, vector<128x128xf32>
    %dot_general3A_73 = arith.constant dense<0.000000e+00> : vector<16x128xf32>
    %dot_general3A_74 = tpu.matmul %div3A_69, %get3A_72, %dot_general3A_73 {dimension_numbers = #tpu.dot_dimension_numbers<[1], [0], [0], [1], [0, 0, 1, 1], [], []>, transpose_lhs_hint = false} : vector<16x128xf32>, vector<128x128xf32>, vector<16x128xf32> -> vector<16x128xf32>
    %get3A_75 = arith.constant 0 : index
    %get3A_76 = arith.constant 0 : index
    %get3A_77 = vector.load %arg8[%get3A_75, %get3A_76] : memref<1x128xf32, #tpu.memory_space<vmem>>, vector<1x128xf32>
    %add3A_78 = vector.broadcast %get3A_77 : vector<1x128xf32> to vector<16x128xf32>
    %add3A_79 = arith.addf %dot_general3A_74, %add3A_78 : vector<16x128xf32>
    %max3A_80 = arith.constant 0.000000e+00 : f32
    %max3A_81 = vector.broadcast %max3A_80 : f32 to vector<16x128xf32>
    %max3A_82 = arith.maximumf %add3A_79, %max3A_81 : vector<16x128xf32>
    %get3A_83 = arith.constant 0 : index
    %get3A_84 = arith.constant 0 : index
    %get3A_85 = vector.load %arg9[%get3A_83, %get3A_84] : memref<128x64xf32, #tpu.memory_space<vmem>>, vector<128x64xf32>
    %dot_general3A_86 = arith.constant dense<0.000000e+00> : vector<16x64xf32>
    %dot_general3A_87 = tpu.matmul %max3A_82, %get3A_85, %dot_general3A_86 {dimension_numbers = #tpu.dot_dimension_numbers<[1], [0], [0], [1], [0, 0, 1, 1], [], []>, transpose_lhs_hint = false} : vector<16x128xf32>, vector<128x64xf32>, vector<16x64xf32> -> vector<16x64xf32>
    %get3A_88 = arith.constant 0 : index
    %get3A_89 = arith.constant 0 : index
    %get3A_90 = vector.load %arg10[%get3A_88, %get3A_89] : memref<1x64xf32, #tpu.memory_space<vmem>>, vector<1x64xf32>
    %add3A_91 = vector.broadcast %get3A_90 : vector<1x64xf32> to vector<16x64xf32>
    %add3A_92 = arith.addf %dot_general3A_87, %add3A_91 : vector<16x64xf32>
    %swap3A = arith.constant 0 : index
    %swap3A_93 = arith.constant 0 : index
    %swap3A_94 = vector.load %arg11[%swap3A, %swap3A_93] : memref<16x64xf32, #tpu.memory_space<vmem>>, vector<16x64xf32>
    tpu.vector_store %arg11[%swap3A, %swap3A_93], %add3A_92 {strides = array<i32>} : memref<16x64xf32, #tpu.memory_space<vmem>>, vector<16x64xf32>,
    return
  }
}

</mosaic_0001>

<sc_bundles>
// kernel: kernel.10.cloned.1.call-start
scs
__scs_entry_jumppad:
0x0: {  	(pc) =	sbr.rel $0x88, $3  }
0x1: {  	(tag) =	ssettag $0x0;
	lr =	simm.s32 $0x1  }
0x2: {  	[smem:$0x3F8E] =	sst lr;
	_ =	strace $0xD0000000  }
0x3: {  	_ = 	snop  }
0x4: {  	_ = 	snop  }
0x5: {  	_ = 	snop  }
0x6: {  	_ = 	snop  }
0x7: {  	_ = 	snop  }
__scs_overlays_trampoline_lowered:
0x8: {  	[smem:$0x3F9D] =	sst s0  }
0x9: {  	[smem:$0x3F9E] =	sst s1  }
0xa: {  	[smem:$0x3F9F] =	sst s2  }
0xb: {  	[smem:$0x3FA0] =	sst s3  }
0xc: {  	[smem:$0x3FA1] =	sst s4  }
0xd: {  	[smem:$0x3FA2] =	sst s5  }
0xe: {  	[smem:$0x3FA3] =	sst s6  }
0xf: {  	[smem:$0x3FA4] =	sst s7  }
0x10: {  	[smem:$0x3FA5] =	sst s8  }
0x11: {  	[smem:$0x3FA6] =	sst s9;
	s0 =	simm.s32 @!p0 $0x0  }
0x12: {  	s1 =	sld [smem:$0x3F8C];
	s0 =	simm.s32 @p0 $0x1  }
0x13: {  	[smem:$0x3FA7] =	sst s0;
	s0 =	simm.s32 @!p1 $0x0  }
0x14: {  	s2 =	sld [smem:$0x3F8B];
	s0 =	simm.s32 @p1 $0x1  }
0x15: {  	[smem:$0x3FA8] =	sst s0;
	s0 =	simm.s32 @!p2 $0x0  }
0x16: {  	s3 =	sld [smem:$0x3FDB];
	s0 =	simm.s32 @p2 $0x1  }
0x17: {  	s4 =	simm.s32 $0x1BF5;
	[smem:$0x3FAA] =	sst s0  }
0x18: {  	s0 =	sld [smem:$0x3F8D];
	_ =	swait.ge [sflag:s4], $0x0  }
0x19: {  	s7 =	sld [smem:$0x3F8E]  }
0x1a: {  	s8 =	sadd.s32 $0xFFFFE003, lr  }
0x1b: {  	s9 =	sadd.s32 $0xFFFFFEF7, lr;
	s5 =	simm.s32 $0xFFFFFFFF;
	p2 =	slt.u32 s8, $0xFFFFF086  }
0x1c: {  	p1 =	slt.u32 s9, $0xF7A;
	s5 =	simm.s32 @!p2 $0x0  }
0x1d: {  	s5 =	simm.s32 @p1 $0x1;
	p0 =	seq.s32 s7, s2  }
0x1e: {  	s7 =	smul.u32 @!p0 $0xF7A, s2;
	p2 =	seq.s32 @!p0 s5, $0x0  }
0x1f: {  	s9 =	smul.u32 $0xF7A, s1;
	s8 =	simm.s32 @!p0 $0x1BF5;
	p2 =	por !p2, p0  }
0x20: {  	[sflag:s8] =	ssyncset.s32 @!p0 $0xFFFFF086;
	s6 =	sadd.s32 @!p0 s3, s7;
	s7 =	simm.s32 @!p0 $0x108  }
0x21: {  	s3 =	sadd.s32 s3, s9;
	s6 =	sadd.s32 @!p0 $0x88, s6;
	s7 =	simm.s32 @p2 $0x1082  }
0x22: {  	[simem:s7], [sflag:s8] =	dma.local @!p0 [hbm:s6], $0xF7A  }
0x23: {  	s9 =	sor.u32 $0xD0000000, s2;
	s6 =	simm.s32 $0x108;
	_ =	swait.ge @!p0 [sflag:s8], $0x0  }
0x24: {  	s3 =	sadd.s32 $0x88, s3;
	s6 =	simm.s32 @!p1 $0x1082;
	[sflag:s4] =	ssyncset.s32 $0xFFFFF086  }
0x25: {  	[simem:s6], [sflag:s4] =	dma.local [hbm:s3], $0xF7A  }
0x26: {  	[smem:$0x3F8E] =	sst s1;
	(tag) =	ssettag s2;
	_ =	strace s9  }
0x27: {  	s1 =	sld [smem:$0x3F9E]  }
0x28: {  	s2 =	sld [smem:$0x3F9F]  }
0x29: {  	s4 =	sld [smem:$0x3FA1]  }
0x2a: {  	p0 =	seq.s32 s5, $0x0;
	s5 =	sld [smem:$0x3FA2]  }
0x2b: {  	s6 =	sld [smem:$0x3FA3]  }
0x2c: {  	s7 =	sld [smem:$0x3FA4]  }
0x2d: {  	s3 =	simm.s32 $0x108;
	s8 =	sld [smem:$0x3FA5]  }
0x2e: {  	s3 =	simm.s32 @!p0 $0x1082;
	s9 =	sld [smem:$0x3FA6]  }
0x2f: {  	lr =	sadd.s32 s0, s3;
	s0 =	sld [smem:$0x3F9D]  }
0x30: {  	s3 =	sld [smem:$0x3FA0]  }
0x31: {  	[smem:$0x3FA9] =	sst s10  }
0x32: {  	s10 =	sld [smem:$0x3FA7];
	_ =	sdelay $0x3  }
0x33: {  	p0 =	seq.s32 s10, $0x1;
	s10 =	sld [smem:$0x3FA9];
	_ =	sdelay $0x3  }
0x34: {  	[smem:$0x3FA9] =	sst s10  }
0x35: {  	s10 =	sld [smem:$0x3FA8];
	_ =	sdelay $0x3  }
0x36: {  	p1 =	seq.s32 s10, $0x1;
	s10 =	sld [smem:$0x3FA9];
	_ =	sdelay $0x3  }
0x37: {  	[smem:$0x3FA9] =	sst s10  }
0x38: {  	s10 =	sld [smem:$0x3FAA]  }
0x39: {  	_ = 	snop;
	(pc) =	sbr.ind lr, $3  }
0x3a: {  	_ = 	snop  }
0x3b: {  	_ = 	snop  }
0x3c: {  	p2 =	seq.s32 s10, $0x1;
	s10 =	sld [smem:$0x3FA9]  }
0x3d: {  	_ =	shalt  }
0x3e: {  	_ =	shalt  }
0x3f: {  	_ =	shalt  }
0x40: {  	_ =	shalt  }
0x41: {  	_ =	shalt  }
0x42: {  	_ =	shalt  }
0x43: {  	_ =	shalt  }
0x44: {  	_ =	shalt  }
0x45: {  	_ =	shalt  }
0x46: {  	_ =	shalt  }
0x47: {  	_ =	shalt  }
0x48: {  	_ =	shalt  }
0x49: {  	_ =	shalt  }
0x4a: {  	_ =	shalt  }
0x4b: {  	_ =	shalt  }
0x4c: {  	_ =	shalt  }
0x4d: {  	_ =	shalt  }
0x4e: {  	_ =	shalt  }
0x4f: {  	_ =	shalt  }
0x50: {  	_ =	shalt  }
0x51: {  	_ =	shalt  }
0x52: {  	_ =	shalt  }
0x53: {  	_ =	shalt  }
0x54: {  	_ =	shalt  }
0x55: {  	_ =	shalt  }
0x56: {  	_ =	shalt  }
0x57: {  	_ =	shalt  }
0x58: {  	_ =	shalt  }
0x59: {  	_ =	shalt  }
0x5a: {  	_ =	shalt  }
0x5b: {  	_ =	shalt  }
0x5c: {  	_ =	shalt  }
0x5d: {  	_ =	shalt  }
0x5e: {  	_ =	shalt  }
0x5f: {  	_ =	shalt  }
0x60: {  	_ =	shalt  }
0x61: {  	_ =	shalt  }
0x62: {  	_ =	shalt  }
0x63: {  	_ =	shalt  }
0x64: {  	_ =	shalt  }
0x65: {  	_ =	shalt  }
0x66: {  	_ =	shalt  }
0x67: {  	_ =	shalt  }
0x68: {  	_ =	shalt  }
0x69: {  	_ =	shalt  }
0x6a: {  	_ =	shalt  }
0x6b: {  	_ =	shalt  }
0x6c: {  	_ =	shalt  }
0x6d: {  	_ =	shalt  }
0x6e: {  	_ =	shalt  }
0x6f: {  	_ =	shalt  }
0x70: {  	_ =	shalt  }
0x71: {  	_ =	shalt  }
0x72: {  	_ =	shalt  }
0x73: {  	_ =	shalt  }
0x74: {  	_ =	shalt  }
0x75: {  	_ =	shalt  }
0x76: {  	_ =	shalt  }
0x77: {  	_ =	shalt  }
0x78: {  	_ =	shalt  }
0x79: {  	_ =	shalt  }
0x7a: {  	_ =	shalt  }
0x7b: {  	_ =	shalt  }
0x7c: {  	_ =	shalt  }
0x7d: {  	_ =	shalt  }
0x7e: {  	_ =	shalt  }
0x7f: {  	_ =	shalt  }
0x80: {  	_ =	shalt  }
0x81: {  	_ =	shalt  }
0x82: {  	_ =	shalt  }
0x83: {  	_ =	shalt  }
0x84: {  	_ =	shalt  }
0x85: {  	_ =	shalt  }
0x86: {  	_ =	shalt  }
0x87: {  	_ =	shalt  }
.Lfunc_end0:
.L_simem_size_0:
called_computation_lowered:
.L_overlay_start_0:
0x88: {  	s2 =	sld [smem:$0x3FD9]  }
0x89: {  	s3 =	sld [smem:$0x3FFE];
	_ =	sdelay $0x1  }
0x8a: {  	s1 =	srdreg.scid  }
0x8b: {  	s0 =	sand.u32 $0x1, s1  }
0x8c: {  	s16 =	sshll.u32 s0, $0xA;
	s2 =	sadd.s32 s3, s2  }
0x8d: {  	s2 =	sadd.s32 s2, s16  }
0x8e: {  	[smem:$0x3FB5] =	sst s2  }
0x8f: {  	_ = 	snop  }
0x90: {  	(tm) =	ssettm $0x1  }
0x91: {  	s17 =	sld [smem:$0x3FFB];
	_ =	sdelay $0x3  }
0x92: {  	_ =	strace s17  }
0x93: {  	s2 =	sld [smem:$0x3FFC];
	_ =	sdelay $0x3  }
0x94: {  	_ =	strace s2  }
0x95: {  	s2 =	sld [smem:$0x3FFD];
	_ =	sdelay $0x3  }
0x96: {  	_ =	strace s2  }
0x97: {  	_ =	strace $0x8FFFFFFF  }
0x98: {  	s18 =	sld [smem:$0x3FDB];
	_ =	sdelay $0x1  }
0x99: {  	s19 =	simm.s32 $_scs_section_size  }
0x9a: {  	s4 =	simm.s32 $_size__tile_overlayer_lowered;
	s5 =	simm.s32 $_tile_overlayer_lowered  }
0x9b: {  	s22 =	simm.s32 $0x1BFF;
	s21 =	sshll.u32 s5, $0x1;
	s2 =	sadd.s32 s19, s18  }
0x9c: {  	s6 =	simm.s32 $0x0;
	s20 =	sshll.u32 s4, $0x1;
	s4 =	sadd.s32 s21, s2  }
0x9d: {  	[timem:s6], [sflag:s22] =	dma.local [hbm:s4], s20  }
0x9e: {  	_ =	swait.ge [sflag:s22], s20  }
0x9f: {  	s3 =	ssub.s32 $0x0, s20;
	[sflag:s22] =	ssyncset.done $0x0  }
0xa0: {  	[sflag:s22] =	ssyncadd.s32 s3;
	_ =	sdelay $0x1  }
0xa1: {  	s23 =	simm.s32 $0x1B8B  }
0xa2: {  	_ =	swait.ge [sflag:s23], $0x1  }
0xa3: {  	[sflag:s23] =	ssyncset.done $0x0  }
0xa4: {  	s25 =	simm.s32 $0x1B8E;
	s24 =	sld [smem:$0x3FFE];
	[sflag:s23] =	ssyncadd.s32 $0xFFFFFFFF  }
0xa5: {  	s26 =	simm.s32 $execute0_lowered;
	[smem:$0x3FD2] =	sst s25  }
0xa6: {  	s4 =	sshll.u32 s26, $0x1;
	_ =	strace $0x80000046;
	[dreg:$0x1] =	wrdreg $0xFFFFFFFF  }
0xa7: {  	s28 =	simm.s32 $_size_execute0_lowered;
	s2 =	sadd.s32 s2, s4;
	[dreg:$0x0] =	wrdreg $0x0  }
0xa8: {  	s4 =	sshll.u32 s28, $0x1;
	[dreg:$0x2] =	wrdreg s2  }
0xa9: {  	[dreg:$0x3] =	wrdreg s4  }
0xaa: {  	[dreg:$0x4] =	wrdreg $0xC0  }
0xab: {  	_ =	task [dreg:s6], $0x5FFFF  }
0xac: {  	[dreg:$0x1] =	wrdreg $0xFFFFFFFF  }
0xad: {  	[dreg:$0x0] =	wrdreg $0x60  }
0xae: {  	[dreg:$0x2] =	wrdreg s24  }
0xaf: {  	[dreg:$0x3] =	wrdreg $0x68000  }
0xb0: {  	[dreg:$0x4] =	wrdreg $0x9  }
0xb1: {  	_ =	task.clear_ibuf [dreg:s6], $0x5FFFF;
	_ =	strace $0x90000046  }
0xb2: {  	s29 =	simm.s32 $0x9;
	_ =	strace $0x80000048  }
0xb3: {  	_ =	swait.ge [sflag:s29], $0x1  }
0xb4: {  	[sflag:s29] =	ssyncadd.s32 $0xFFFFFFFF  }
0xb5: {  	_ =	strace $0x90000048  }
0xb6: {  	_ =	sfence  }
0xb7: {  	s30 =	sld [smem:$0x0];
	_ =	sdelay $0x2  }
0xb8: {  	s31 =	sshll.u32 s1, $0xD;
	s1 =	sshrl.u32 s1, $0x2  }
0xb9: {  	s3 =	sand.u32 $0x4000, s31;
	s1 =	sadd.s32 s1, s30  }
0xba: {  	s0 =	sor.u32 s3, s0;
	s1 =	sshll.u32 s1, $0x11  }
0xbb: {  	s0 =	sor.u32 s1, s0  }
0xbc: {  	s0 =	sadd.s32 $0x8F2B, s0  }
0xbd: {  	[sflag:s0] =	ssyncadd.remote.s32 $0x1  }
0xbe: {  	_ =	sfence.sel $0xFFFF  }
0xbf: {  	[dreg:$0x0] =	wrdreg $0xFFFFFFFF;
	(pc) =	sbr.abs _section_cstart, $3  }
0xc0: {  	[dreg:$0x1] =	wrdreg $0xFFFFFFFF  }
0xc1: {  	_ =	task.clear_ibuf [dreg:s6], $0x2FFFF;
	_ =	strace $0x9FFFFFFF  }
0xc2: {  	(tm) =	ssettm $0x7FFFFFFF  }
0xc3: {  	_ =	shalt  }
tec
execute0_lowered:
.L_overlay_start_1:
0x0: {  	(tag) =	ssettag $0x1  }
0x1: {  	s4 =	rddreg [dreg:$0x0];
	s0 =	srdreg.scid  }
0x2: {  	s2 =	rddreg [dreg:$0x1];
	s1 =	stileid.u32  }
0x3: {  	s3 =	simm.s32 $0x0;
	s12 =	simm.s32 $0x2800;
	s13 =	simm.s32 $0x1  }
0x4: {  	s14 =	simm.s32 $0x80;
	s5 =	sand.u32 $0x1, s0;
	s8 =	smul.u32 $0x14000, s1  }
0x5: {  	s0 =	rddreg [dreg:$0x2];
	s6 =	sshll.u32 s1, $0x1;
	s30 =	smul.u32 $0x50000, s1  }
0x6: {  	[smem:$0x7FF] =	sst s3;
	s15 =	sshll.u32 s1, $0x6;
	s7 =	smul.u32 $0x140000, s5  }
0x7: {  	s6 =	sor.u32 s5, s6;
	_ =	strace $0x80000047;
	s5 =	ssub.s32 $0x2, s5  }
0x8: {  	s15 =	sor.u32 $0x1C01, s15;
	s6 =	smul.u32 $0x500, s6;
	s7 =	sadd.s32 s8, s7  }
0x9: {  	s31 =	sshrl.u32 s5, $0x1;
	s8 =	sshrl.u32 s30, $0x2;
	s7 =	sshrl.u32 s7, $0x3  }
0xa: {  	s9 =	ssub.s32 s5, s31;
	s6 =	sadd.s32 s6, s4;
	s7 =	sadd.s32 s7, s4  }
0xb: {  	s4 =	sadd.s32 s8, s2;
	s5 =	sadd.s32 $0x4800, s6;
	s6 =	sadd.s32 $0xE800, s7  }
0xc: {  	s7 =	smax.u32 s9, $0x1;
	s8 =	sadd.s32 $0x4000, s4;
	s9 =	sadd.s32 $0x8000, s4  }
0xd: {  	v0 =	vimm.f32 $0.0e+00;
	v1 =	vimm.f32 $1.000000000e+00;
	s10 =	sadd.s32 $0xC000, s4;
	s11 =	sadd.s32 $0x10000, s4;
	s16 =	sshrl.u32 s4, $0x3  }
.LBB2_1:
0xe: {  	s17 =	simm.s32 $0x0;
	s18 =	simm.s32 $0x200  }
.LBB2_2:
0xf: {  	p0 =	sne.s32 s18, $0xFE00;
	[tilespmem:s17+$0x2870] =	vst v0  }
0x10: {  	[tilespmem:s17+$0x2800] =	vst v0  }
0x11: {  	[tilespmem:s17+$0x2810] =	vst v0  }
.Ltmp0:
0x12: {  	[tilespmem:s17+$0x2820] =	vst v0;
	(pc) =	sbr.rel @p0 .LBB2_2-.Ltmp0, $4  }
0x13: {  	[tilespmem:s17+$0x2830] =	vst v0  }
0x14: {  	[tilespmem:s17+$0x2840] =	vst v0  }
0x15: {  	[tilespmem:s17+$0x2850] =	vst v0  }
0x16: {  	[tilespmem:s17+$0x2860] =	vst v0;
	s17 =	sshra.s32 s18, $0x2;
	s18 =	sadd.s32 $0x200, s18  }
0x17: {  	[tilespmem:s17+$0x2870] =	vst v0  }
0x18: {  	[tilespmem:s17+$0x2800] =	vst v0  }
0x19: {  	[tilespmem:s17+$0x2810] =	vst v0  }
0x1a: {  	[tilespmem:s17+$0x2820] =	vst v0  }
0x1b: {  	[tilespmem:s17+$0x2830] =	vst v0  }
0x1c: {  	[tilespmem:s17+$0x2840] =	vst v0  }
0x1d: {  	[tilespmem:s17+$0x2850] =	vst v0  }
0x1e: {  	[tilespmem:s17+$0x2860] =	vst v0  }
0x1f: {  	[spmem:s4] =	stream.linear.scatter [tilespmem:s12], [sflag:$0x1], $0x4000, $0x38;
	[tilespmem:$0x1A800] =	vst v63  }
0x20: {  	_ =	swait.ge [sflag:s13], $0x4000  }
0x21: {  	[sflag:s13] =	ssyncset.done $0x0  }
0x22: {  	[sflag:s13] =	ssyncadd.s32 $0xFFFFC000  }
0x23: {  	[spmem:s8] =	stream.linear.scatter [tilespmem:s12], [sflag:$0x1], $0x4000, $0x38;
	[tilespmem:$0x1A800] =	vst v63  }
0x24: {  	_ =	swait.ge [sflag:s13], $0x4000  }
0x25: {  	[sflag:s13] =	ssyncset.done $0x0  }
0x26: {  	[sflag:s13] =	ssyncadd.s32 $0xFFFFC000  }
0x27: {  	[spmem:s9] =	stream.linear.scatter [tilespmem:s12], [sflag:$0x1], $0x4000, $0x38;
	[tilespmem:$0x1A800] =	vst v63  }
0x28: {  	_ =	swait.ge [sflag:s13], $0x4000  }
0x29: {  	[sflag:s13] =	ssyncset.done $0x0  }
0x2a: {  	[sflag:s13] =	ssyncadd.s32 $0xFFFFC000  }
0x2b: {  	[spmem:s10] =	stream.linear.scatter [tilespmem:s12], [sflag:$0x1], $0x4000, $0x38;
	[tilespmem:$0x1A800] =	vst v63  }
0x2c: {  	_ =	swait.ge [sflag:s13], $0x4000  }
0x2d: {  	[sflag:s13] =	ssyncset.done $0x0  }
0x2e: {  	[sflag:s13] =	ssyncadd.s32 $0xFFFFC000  }
0x2f: {  	[spmem:s11] =	stream.linear.scatter [tilespmem:s12], [sflag:$0x1], $0x4000, $0x38;
	[tilespmem:$0x1A800] =	vst v63  }
0x30: {  	_ =	swait.ge [sflag:s13], $0x4000  }
0x31: {  	[sflag:s13] =	ssyncset.done $0x0  }
0x32: {  	s17 =	simm.s32 $0x0;
	s18 =	simm.s32 $0x200;
	[sflag:s13] =	ssyncadd.s32 $0xFFFFC000  }
.LBB2_4:
0x33: {  	p0 =	sne.s32 s18, $0xFE00;
	[tilespmem:s17+$0x2870] =	vst v1  }
0x34: {  	[tilespmem:s17+$0x2800] =	vst v1  }
0x35: {  	[tilespmem:s17+$0x2810] =	vst v1  }
.Ltmp1:
0x36: {  	[tilespmem:s17+$0x2820] =	vst v1;
	(pc) =	sbr.rel @p0 .LBB2_4-.Ltmp1, $4  }
0x37: {  	[tilespmem:s17+$0x2830] =	vst v1  }
0x38: {  	[tilespmem:s17+$0x2840] =	vst v1  }
0x39: {  	[tilespmem:s17+$0x2850] =	vst v1  }
0x3a: {  	[tilespmem:s17+$0x2860] =	vst v1;
	s17 =	sshra.s32 s18, $0x2;
	s18 =	sadd.s32 $0x200, s18  }
0x3b: {  	[tilespmem:s17+$0x2870] =	vst v1  }
0x3c: {  	[tilespmem:s17+$0x2800] =	vst v1  }
0x3d: {  	[tilespmem:s17+$0x2810] =	vst v1  }
0x3e: {  	[tilespmem:s17+$0x2820] =	vst v1  }
0x3f: {  	[tilespmem:s17+$0x2830] =	vst v1  }
0x40: {  	[tilespmem:s17+$0x2840] =	vst v1  }
0x41: {  	[tilespmem:s17+$0x2850] =	vst v1  }
0x42: {  	[tilespmem:s17+$0x2860] =	vst v1;
	s30 =	simm.s32 $0x0  }
0x43: {  	[tilespmem:s30], [sflag:$0x1] =	stream.linear.gather [hbm4b:s5+s30], $0x2800, $0x38;
	[tilespmem:$0x1A800] =	vst v63  }
0x44: {  	_ =	swait.ge [sflag:s13], $0x2800  }
0x45: {  	[sflag:s13] =	ssyncset.done $0x0  }
0x46: {  	[sflag:s13] =	ssyncadd.s32 $0xFFFFD800  }
0x47: {  	s31 =	simm.s32 $0x0;
	[bflag:$0x0] =	sbarrier.arrive $0xFFFF  }
0x48: {  	[spmem:s2] =	stream.indirect.scatter.add.f32 [tilespmem:s12], [sflag:$0x1], $0x80, s31, s14, $0xb8;
	[tilespmem:$0x1A800] =	vst v63  }
0x49: {  	_ =	swait.ge [sflag:s13], $0x4000  }
0x4a: {  	s17 =	simm.s32 $0x200;
	[sflag:s13] =	ssyncset.done $0x0  }
.LBB2_6:
0x4b: {  	s18 =	sshra.s32 s17, $0x2;
	[sflag:s13] =	ssyncadd.s32 $0xFFFFC000;
	p0 =	sne.s32 s17, $0x9E00  }
0x4c: {  	[spmem:s2] =	stream.indirect.scatter.add.f32 [tilespmem:s12], [sflag:$0x1], $0x80, s18, s14, $0xb8;
	[tilespmem:$0x1A800] =	vst v63  }
.Ltmp2:
0x4d: {  	_ = 	snop;
	(pc) =	sbr.rel @p0 .LBB2_6-.Ltmp2, $4  }
0x4e: {  	_ = 	snop  }
0x4f: {  	s17 =	sadd.s32 $0x200, s17  }
0x50: {  	_ =	swait.ge [sflag:s13], $0x4000  }
0x51: {  	[sflag:s13] =	ssyncset.done $0x0  }
0x52: {  	s3 =	sadd.s32 $0x1, s3  }
0x53: {  	[sflag:s13] =	ssyncadd.s32 $0xFFFFC000;
	p0 =	sne.s32 s3, s7  }
.Ltmp3:
0x54: {  	[bflag:$0x0] =	sbarrier.arrive $0xFFFF;
	(pc) =	sbr.rel @p0 .LBB2_1-.Ltmp3, $4  }
0x55: {  	[hbm:s6], [sflag:s15] =	dma.local [spmem:s16], $0x2800  }
0x56: {  	_ =	swait.ge [sflag:s13], $0x2800  }
0x57: {  	[sflag:s13] =	ssyncset.done $0x0  }
0x58: {  	[sflag:s13] =	ssyncadd.s32 $0xFFFFD800  }
0x59: {  	_ =	sfence.sel $0x180000  }
0x5a: {  	[bflag:$0x0] =	sbarrier.arrive $0xFFFF  }
0x5b: {  	p0 =	sne.s32 s1, $0x0;
	_ =	strace $0x90000047  }
0x5c: {  	s0 =	sadd.s32 @!p0 $0x100000, s0;
	[bflag:$0x2] =	sbarrier.arrive $0xFFFF  }
0x5d: {  	[sflag:s0] =	ssyncadd.tile.s32 @!p0 $0x1;
	_ =	shalt  }
.Lfunc_end2:
_tile_overlayer_lowered:
.L_overlay_start_2:
0x5e: {  	(tag) =	ssettag $0x2  }
0x5f: {  	s0 =	rddreg [dreg:$0x0];
	s2 =	stileid.u32  }
0x60: {  	s1 =	rddreg [dreg:$0x1];
	p0 =	sne.s32 s2, $0x0  }
0x61: {  	s3 =	rddreg [dreg:$0x2];
	[bflag:$0x3] =	sbarrier.arrive $0xFFFF;
	s2 =	simm.s32 @!p0 $0x1C01  }
0x62: {  	[timem:s3], [sflag:s2] =	dma.local @!p0 [hbm:s0], s1  }
0x63: {  	s0 =	simm.s32 @!p0 $0x1  }
0x64: {  	_ =	swait.ge @!p0 [sflag:s0], s1  }
0x65: {  	s1 =	ssub.s32 @!p0 $0x0, s1;
	[sflag:s0] =	ssyncset.done @!p0 $0x0  }
0x66: {  	[sflag:s0] =	ssyncadd.s32 @!p0 s1  }
0x67: {  	[bflag:$0x3] =	sbarrier.arrive $0xFFFF  }
0x68: {  	_ =	shalt  }

// kernel: kernel.13.cloned.1.call-start
scs
__scs_entry_jumppad:
0x0: {  	(pc) =	sbr.rel $0x88, $3  }
0x1: {  	(tag) =	ssettag $0x0;
	lr =	simm.s32 $0x1  }
0x2: {  	[smem:$0x3F8E] =	sst lr;
	_ =	strace $0xD0000000  }
0x3: {  	_ = 	snop  }
0x4: {  	_ = 	snop  }
0x5: {  	_ = 	snop  }
0x6: {  	_ = 	snop  }
0x7: {  	_ = 	snop  }
__scs_overlays_trampoline_lowered:
0x8: {  	[smem:$0x3F9D] =	sst s0  }
0x9: {  	[smem:$0x3F9E] =	sst s1  }
0xa: {  	[smem:$0x3F9F] =	sst s2  }
0xb: {  	[smem:$0x3FA0] =	sst s3  }
0xc: {  	[smem:$0x3FA1] =	sst s4  }
0xd: {  	[smem:$0x3FA2] =	sst s5  }
0xe: {  	[smem:$0x3FA3] =	sst s6  }
0xf: {  	[smem:$0x3FA4] =	sst s7  }
0x10: {  	[smem:$0x3FA5] =	sst s8  }
0x11: {  	[smem:$0x3FA6] =	sst s9;
	s0 =	simm.s32 @!p0 $0x0  }
0x12: {  	s1 =	sld [smem:$0x3F8C];
	s0 =	simm.s32 @p0 $0x1  }
0x13: {  	[smem:$0x3FA7] =	sst s0;
	s0 =	simm.s32 @!p1 $0x0  }
0x14: {  	s2 =	sld [smem:$0x3F8B];
	s0 =	simm.s32 @p1 $0x1  }
0x15: {  	[smem:$0x3FA8] =	sst s0;
	s0 =	simm.s32 @!p2 $0x0  }
0x16: {  	s3 =	sld [smem:$0x3FDB];
	s0 =	simm.s32 @p2 $0x1  }
0x17: {  	s4 =	simm.s32 $0x1BF5;
	[smem:$0x3FAA] =	sst s0  }
0x18: {  	s0 =	sld [smem:$0x3F8D];
	_ =	swait.ge [sflag:s4], $0x0  }
0x19: {  	s7 =	sld [smem:$0x3F8E]  }
0x1a: {  	s8 =	sadd.s32 $0xFFFFE003, lr  }
0x1b: {  	s9 =	sadd.s32 $0xFFFFFEF7, lr;
	s5 =	simm.s32 $0xFFFFFFFF;
	p2 =	slt.u32 s8, $0xFFFFF086  }
0x1c: {  	p1 =	slt.u32 s9, $0xF7A;
	s5 =	simm.s32 @!p2 $0x0  }
0x1d: {  	s5 =	simm.s32 @p1 $0x1;
	p0 =	seq.s32 s7, s2  }
0x1e: {  	s7 =	smul.u32 @!p0 $0xF7A, s2;
	p2 =	seq.s32 @!p0 s5, $0x0  }
0x1f: {  	s9 =	smul.u32 $0xF7A, s1;
	s8 =	simm.s32 @!p0 $0x1BF5;
	p2 =	por !p2, p0  }
0x20: {  	[sflag:s8] =	ssyncset.s32 @!p0 $0xFFFFF086;
	s6 =	sadd.s32 @!p0 s3, s7;
	s7 =	simm.s32 @!p0 $0x108  }
0x21: {  	s3 =	sadd.s32 s3, s9;
	s6 =	sadd.s32 @!p0 $0x88, s6;
	s7 =	simm.s32 @p2 $0x1082  }
0x22: {  	[simem:s7], [sflag:s8] =	dma.local @!p0 [hbm:s6], $0xF7A  }
0x23: {  	s9 =	sor.u32 $0xD0000000, s2;
	s6 =	simm.s32 $0x108;
	_ =	swait.ge @!p0 [sflag:s8], $0x0  }
0x24: {  	s3 =	sadd.s32 $0x88, s3;
	s6 =	simm.s32 @!p1 $0x1082;
	[sflag:s4] =	ssyncset.s32 $0xFFFFF086  }
0x25: {  	[simem:s6], [sflag:s4] =	dma.local [hbm:s3], $0xF7A  }
0x26: {  	[smem:$0x3F8E] =	sst s1;
	(tag) =	ssettag s2;
	_ =	strace s9  }
0x27: {  	s1 =	sld [smem:$0x3F9E]  }
0x28: {  	s2 =	sld [smem:$0x3F9F]  }
0x29: {  	s4 =	sld [smem:$0x3FA1]  }
0x2a: {  	p0 =	seq.s32 s5, $0x0;
	s5 =	sld [smem:$0x3FA2]  }
0x2b: {  	s6 =	sld [smem:$0x3FA3]  }
0x2c: {  	s7 =	sld [smem:$0x3FA4]  }
0x2d: {  	s3 =	simm.s32 $0x108;
	s8 =	sld [smem:$0x3FA5]  }
0x2e: {  	s3 =	simm.s32 @!p0 $0x1082;
	s9 =	sld [smem:$0x3FA6]  }
0x2f: {  	lr =	sadd.s32 s0, s3;
	s0 =	sld [smem:$0x3F9D]  }
0x30: {  	s3 =	sld [smem:$0x3FA0]  }
0x31: {  	[smem:$0x3FA9] =	sst s10  }
0x32: {  	s10 =	sld [smem:$0x3FA7];
	_ =	sdelay $0x3  }
0x33: {  	p0 =	seq.s32 s10, $0x1;
	s10 =	sld [smem:$0x3FA9];
	_ =	sdelay $0x3  }
0x34: {  	[smem:$0x3FA9] =	sst s10  }
0x35: {  	s10 =	sld [smem:$0x3FA8];
	_ =	sdelay $0x3  }
0x36: {  	p1 =	seq.s32 s10, $0x1;
	s10 =	sld [smem:$0x3FA9];
	_ =	sdelay $0x3  }
0x37: {  	[smem:$0x3FA9] =	sst s10  }
0x38: {  	s10 =	sld [smem:$0x3FAA]  }
0x39: {  	_ = 	snop;
	(pc) =	sbr.ind lr, $3  }
0x3a: {  	_ = 	snop  }
0x3b: {  	_ = 	snop  }
0x3c: {  	p2 =	seq.s32 s10, $0x1;
	s10 =	sld [smem:$0x3FA9]  }
0x3d: {  	_ =	shalt  }
0x3e: {  	_ =	shalt  }
0x3f: {  	_ =	shalt  }
0x40: {  	_ =	shalt  }
0x41: {  	_ =	shalt  }
0x42: {  	_ =	shalt  }
0x43: {  	_ =	shalt  }
0x44: {  	_ =	shalt  }
0x45: {  	_ =	shalt  }
0x46: {  	_ =	shalt  }
0x47: {  	_ =	shalt  }
0x48: {  	_ =	shalt  }
0x49: {  	_ =	shalt  }
0x4a: {  	_ =	shalt  }
0x4b: {  	_ =	shalt  }
0x4c: {  	_ =	shalt  }
0x4d: {  	_ =	shalt  }
0x4e: {  	_ =	shalt  }
0x4f: {  	_ =	shalt  }
0x50: {  	_ =	shalt  }
0x51: {  	_ =	shalt  }
0x52: {  	_ =	shalt  }
0x53: {  	_ =	shalt  }
0x54: {  	_ =	shalt  }
0x55: {  	_ =	shalt  }
0x56: {  	_ =	shalt  }
0x57: {  	_ =	shalt  }
0x58: {  	_ =	shalt  }
0x59: {  	_ =	shalt  }
0x5a: {  	_ =	shalt  }
0x5b: {  	_ =	shalt  }
0x5c: {  	_ =	shalt  }
0x5d: {  	_ =	shalt  }
0x5e: {  	_ =	shalt  }
0x5f: {  	_ =	shalt  }
0x60: {  	_ =	shalt  }
0x61: {  	_ =	shalt  }
0x62: {  	_ =	shalt  }
0x63: {  	_ =	shalt  }
0x64: {  	_ =	shalt  }
0x65: {  	_ =	shalt  }
0x66: {  	_ =	shalt  }
0x67: {  	_ =	shalt  }
0x68: {  	_ =	shalt  }
0x69: {  	_ =	shalt  }
0x6a: {  	_ =	shalt  }
0x6b: {  	_ =	shalt  }
0x6c: {  	_ =	shalt  }
0x6d: {  	_ =	shalt  }
0x6e: {  	_ =	shalt  }
0x6f: {  	_ =	shalt  }
0x70: {  	_ =	shalt  }
0x71: {  	_ =	shalt  }
0x72: {  	_ =	shalt  }
0x73: {  	_ =	shalt  }
0x74: {  	_ =	shalt  }
0x75: {  	_ =	shalt  }
0x76: {  	_ =	shalt  }
0x77: {  	_ =	shalt  }
0x78: {  	_ =	shalt  }
0x79: {  	_ =	shalt  }
0x7a: {  	_ =	shalt  }
0x7b: {  	_ =	shalt  }
0x7c: {  	_ =	shalt  }
0x7d: {  	_ =	shalt  }
0x7e: {  	_ =	shalt  }
0x7f: {  	_ =	shalt  }
0x80: {  	_ =	shalt  }
0x81: {  	_ =	shalt  }
0x82: {  	_ =	shalt  }
0x83: {  	_ =	shalt  }
0x84: {  	_ =	shalt  }
0x85: {  	_ =	shalt  }
0x86: {  	_ =	shalt  }
0x87: {  	_ =	shalt  }
.Lfunc_end0:
.L_simem_size_0:
called_computation.1_lowered:
.L_overlay_start_0:
0x88: {  	s2 =	sld [smem:$0x3FD9]  }
0x89: {  	s3 =	sld [smem:$0x3FFE];
	_ =	sdelay $0x1  }
0x8a: {  	s1 =	srdreg.scid  }
0x8b: {  	s0 =	sand.u32 $0x1, s1  }
0x8c: {  	s16 =	sshll.u32 s0, $0xA;
	s2 =	sadd.s32 s3, s2  }
0x8d: {  	s2 =	sadd.s32 s2, s16  }
0x8e: {  	[smem:$0x3FB5] =	sst s2  }
0x8f: {  	_ = 	snop  }
0x90: {  	(tm) =	ssettm $0x1  }
0x91: {  	s17 =	sld [smem:$0x3FFB];
	_ =	sdelay $0x3  }
0x92: {  	_ =	strace s17  }
0x93: {  	s2 =	sld [smem:$0x3FFC];
	_ =	sdelay $0x3  }
0x94: {  	_ =	strace s2  }
0x95: {  	s2 =	sld [smem:$0x3FFD];
	_ =	sdelay $0x3  }
0x96: {  	_ =	strace s2  }
0x97: {  	_ =	strace $0x8FFFFFFF  }
0x98: {  	s18 =	sld [smem:$0x3FDB];
	_ =	sdelay $0x1  }
0x99: {  	s19 =	simm.s32 $_scs_section_size  }
0x9a: {  	s4 =	simm.s32 $_size__tile_overlayer_lowered;
	s5 =	simm.s32 $_tile_overlayer_lowered  }
0x9b: {  	s22 =	simm.s32 $0x1BFF;
	s21 =	sshll.u32 s5, $0x1;
	s2 =	sadd.s32 s19, s18  }
0x9c: {  	s6 =	simm.s32 $0x0;
	s20 =	sshll.u32 s4, $0x1;
	s4 =	sadd.s32 s21, s2  }
0x9d: {  	[timem:s6], [sflag:s22] =	dma.local [hbm:s4], s20  }
0x9e: {  	_ =	swait.ge [sflag:s22], s20  }
0x9f: {  	s3 =	ssub.s32 $0x0, s20;
	[sflag:s22] =	ssyncset.done $0x0  }
0xa0: {  	[sflag:s22] =	ssyncadd.s32 s3;
	_ =	sdelay $0x1  }
0xa1: {  	s23 =	simm.s32 $0x1B8B  }
0xa2: {  	_ =	swait.ge [sflag:s23], $0x1  }
0xa3: {  	[sflag:s23] =	ssyncset.done $0x0  }
0xa4: {  	s25 =	simm.s32 $0x1B8E;
	s24 =	sld [smem:$0x3FFE];
	[sflag:s23] =	ssyncadd.s32 $0xFFFFFFFF  }
0xa5: {  	s26 =	simm.s32 $execute0_lowered;
	[smem:$0x3FD2] =	sst s25  }
0xa6: {  	s4 =	sshll.u32 s26, $0x1;
	_ =	strace $0x80000049;
	[dreg:$0x1] =	wrdreg $0xFFFFFFFF  }
0xa7: {  	s28 =	simm.s32 $_size_execute0_lowered;
	s2 =	sadd.s32 s2, s4;
	[dreg:$0x0] =	wrdreg $0x0  }
0xa8: {  	s4 =	sshll.u32 s28, $0x1;
	[dreg:$0x2] =	wrdreg s2  }
0xa9: {  	[dreg:$0x3] =	wrdreg s4  }
0xaa: {  	[dreg:$0x4] =	wrdreg $0xC0  }
0xab: {  	_ =	task [dreg:s6], $0x5FFFF  }
0xac: {  	[dreg:$0x1] =	wrdreg $0xFFFFFFFF  }
0xad: {  	[dreg:$0x0] =	wrdreg $0x60  }
0xae: {  	[dreg:$0x2] =	wrdreg s24  }
0xaf: {  	[dreg:$0x3] =	wrdreg $0x41000  }
0xb0: {  	[dreg:$0x4] =	wrdreg $0x9  }
0xb1: {  	_ =	task.clear_ibuf [dreg:s6], $0x5FFFF;
	_ =	strace $0x90000049  }
0xb2: {  	s29 =	simm.s32 $0x9;
	_ =	strace $0x8000004B  }
0xb3: {  	_ =	swait.ge [sflag:s29], $0x1  }
0xb4: {  	[sflag:s29] =	ssyncadd.s32 $0xFFFFFFFF  }
0xb5: {  	_ =	strace $0x9000004B  }
0xb6: {  	_ =	sfence  }
0xb7: {  	s30 =	sld [smem:$0x0];
	_ =	sdelay $0x2  }
0xb8: {  	s31 =	sshll.u32 s1, $0xD;
	s1 =	sshrl.u32 s1, $0x2  }
0xb9: {  	s3 =	sand.u32 $0x4000, s31;
	s1 =	sadd.s32 s1, s30  }
0xba: {  	s0 =	sor.u32 s3, s0;
	s1 =	sshll.u32 s1, $0x11  }
0xbb: {  	s0 =	sor.u32 s1, s0  }
0xbc: {  	s0 =	sadd.s32 $0x8F2B, s0  }
0xbd: {  	[sflag:s0] =	ssyncadd.remote.s32 $0x1  }
0xbe: {  	_ =	sfence.sel $0xFFFF  }
0xbf: {  	[dreg:$0x0] =	wrdreg $0xFFFFFFFF;
	(pc) =	sbr.abs _section_cstart, $3  }
0xc0: {  	[dreg:$0x1] =	wrdreg $0xFFFFFFFF  }
0xc1: {  	_ =	task.clear_ibuf [dreg:s6], $0x2FFFF;
	_ =	strace $0x9FFFFFFF  }
0xc2: {  	(tm) =	ssettm $0x7FFFFFFF  }
0xc3: {  	_ =	shalt  }
tec
execute0_lowered:
.L_overlay_start_1:
0x0: {  	(tag) =	ssettag $0x1  }
0x1: {  	s7 =	rddreg [dreg:$0x0];
	s0 =	srdreg.scid  }
0x2: {  	s2 =	rddreg [dreg:$0x1];
	s1 =	stileid.u32  }
0x3: {  	s3 =	simm.s32 $0x0;
	s15 =	simm.s32 $0x100;
	s16 =	simm.s32 $0x2  }
0x4: {  	s17 =	simm.s32 $0x80;
	s18 =	simm.s32 $0x1;
	s21 =	simm.s32 $0x0  }
0x5: {  	s8 =	sand.u32 $0x1, s0;
	s0 =	rddreg [dreg:$0x2];
	s6 =	smul.u32 $0x14000, s1  }
0x6: {  	[smem:$0x7FF] =	sst s3;
	s4 =	sadd.s32 $0xE800, s7;
	s10 =	smul.u32 $0x50000, s1  }
0x7: {  	s12 =	sshll.u32 s1, $0x1;
	s19 =	sshll.u32 s1, $0x6;
	s5 =	smul.u32 $0x140000, s8  }
0x8: {  	_ =	strace $0x8000004A;
	s31 =	ssub.s32 $0x2, s8;
	s8 =	sor.u32 s8, s12  }
0x9: {  	s19 =	sor.u32 $0x1C02, s19;
	s11 =	sshrl.u32 s31, $0x1;
	s10 =	sshrl.u32 s10, $0x2  }
0xa: {  	s8 =	smul.u32 $0x2800, s8;
	s6 =	sadd.s32 s6, s5;
	s5 =	sadd.s32 $0x5E800, s7  }
0xb: {  	s11 =	ssub.s32 s31, s11;
	s9 =	sshrl.u32 s6, $0x3;
	s6 =	sadd.s32 $0x4800, s7  }
0xc: {  	s9 =	sadd.s32 s9, s7;
	s7 =	sadd.s32 s10, s2;
	s10 =	smax.u32 s11, $0x1  }
0xd: {  	s9 =	sadd.s32 $0x68800, s9;
	s11 =	sadd.s32 $0x4000, s7;
	s12 =	sadd.s32 $0x8000, s7  }
0xe: {  	v0 =	vimm.f32 $0.0e+00;
	s13 =	sadd.s32 $0xC000, s7;
	s14 =	sadd.s32 $0x10000, s7;
	s20 =	sshrl.u32 s7, $0x3  }
.LBB2_1:
0xf: {  	s22 =	simm.s32 $0x0;
	s23 =	simm.s32 $0x200  }
.LBB2_2:
0x10: {  	p0 =	sne.s32 s23, $0xFE00;
	[tilespmem:s22+$0x170] =	vst v0  }
0x11: {  	[tilespmem:s22+$0x100] =	vst v0  }
0x12: {  	[tilespmem:s22+$0x110] =	vst v0  }
.Ltmp0:
0x13: {  	[tilespmem:s22+$0x120] =	vst v0;
	(pc) =	sbr.rel @p0 .LBB2_2-.Ltmp0, $4  }
0x14: {  	[tilespmem:s22+$0x130] =	vst v0  }
0x15: {  	[tilespmem:s22+$0x140] =	vst v0  }
0x16: {  	[tilespmem:s22+$0x150] =	vst v0  }
0x17: {  	[tilespmem:s22+$0x160] =	vst v0;
	s22 =	sshra.s32 s23, $0x2;
	s23 =	sadd.s32 $0x200, s23  }
0x18: {  	[tilespmem:s22+$0x170] =	vst v0  }
0x19: {  	[tilespmem:s22+$0x100] =	vst v0  }
0x1a: {  	[tilespmem:s22+$0x110] =	vst v0  }
0x1b: {  	[tilespmem:s22+$0x120] =	vst v0  }
0x1c: {  	[tilespmem:s22+$0x130] =	vst v0  }
0x1d: {  	[tilespmem:s22+$0x140] =	vst v0  }
0x1e: {  	[tilespmem:s22+$0x150] =	vst v0  }
0x1f: {  	[tilespmem:s22+$0x160] =	vst v0  }
0x20: {  	[spmem:s7] =	stream.linear.scatter [tilespmem:s15], [sflag:$0x2], $0x4000, $0x38;
	[tilespmem:$0x18100] =	vst v63  }
0x21: {  	_ =	swait.ge [sflag:s16], $0x4000  }
0x22: {  	[sflag:s16] =	ssyncset.done $0x0  }
0x23: {  	[sflag:s16] =	ssyncadd.s32 $0xFFFFC000  }
0x24: {  	[spmem:s11] =	stream.linear.scatter [tilespmem:s15], [sflag:$0x2], $0x4000, $0x38;
	[tilespmem:$0x18100] =	vst v63  }
0x25: {  	_ =	swait.ge [sflag:s16], $0x4000  }
0x26: {  	[sflag:s16] =	ssyncset.done $0x0  }
0x27: {  	[sflag:s16] =	ssyncadd.s32 $0xFFFFC000  }
0x28: {  	[spmem:s12] =	stream.linear.scatter [tilespmem:s15], [sflag:$0x2], $0x4000, $0x38;
	[tilespmem:$0x18100] =	vst v63  }
0x29: {  	_ =	swait.ge [sflag:s16], $0x4000  }
0x2a: {  	[sflag:s16] =	ssyncset.done $0x0  }
0x2b: {  	[sflag:s16] =	ssyncadd.s32 $0xFFFFC000  }
0x2c: {  	[spmem:s13] =	stream.linear.scatter [tilespmem:s15], [sflag:$0x2], $0x4000, $0x38;
	[tilespmem:$0x18100] =	vst v63  }
0x2d: {  	_ =	swait.ge [sflag:s16], $0x4000  }
0x2e: {  	s28 =	simm.s32 $0x0;
	[sflag:s16] =	ssyncset.done $0x0  }
0x2f: {  	s23 =	sand.u32 $0x3C00, s28;
	[sflag:s16] =	ssyncadd.s32 $0xFFFFC000  }
0x30: {  	[spmem:s14] =	stream.linear.scatter [tilespmem:s15], [sflag:$0x2], $0x4000, $0x38;
	[tilespmem:$0x18100] =	vst v63  }
0x31: {  	s22 =	sand.u32 $0x380, s28;
	s23 =	sadd.s32 s8, s23;
	_ =	swait.ge [sflag:s16], $0x4000  }
0x32: {  	s22 =	sor.u32 s22, s23;
	[sflag:s16] =	ssyncset.done $0x0  }
0x33: {  	s22 =	sshrl.u32 s22, $0x3;
	[sflag:s16] =	ssyncadd.s32 $0xFFFFC000  }
0x34: {  	s29 =	sadd.s32 s5, s22;
	[bflag:$0x0] =	sbarrier.arrive $0xFFFF  }
0x35: {  	[tilespmem:s3], [sflag:$0x2] =	stream.linear.gather [hbm4b:s29+s3], $0x80, $0x38;
	[tilespmem:$0x18100] =	vst v63  }
0x36: {  	_ =	swait.ge [sflag:s16], $0x80  }
0x37: {  	[sflag:s16] =	ssyncset.done $0x0  }
0x38: {  	s22 =	sadd.s32 s6, s22;
	[sflag:s16] =	ssyncadd.s32 $0xFFFFFF80  }
0x39: {  	[tilespmem:s17], [sflag:$0x2] =	stream.linear.gather [hbm4b:s22+s3], $0x80, $0x38;
	[tilespmem:$0x18100] =	vst v63  }
0x3a: {  	_ =	swait.ge [sflag:s16], $0x80  }
0x3b: {  	[sflag:s16] =	ssyncset.done $0x0  }
0x3c: {  	[sflag:s16] =	ssyncadd.s32 $0xFFFFFF80  }
0x3d: {  	[tilespmem:s15], [sflag:$0x1] =	stream.indirect.gather [hbm4b:s4+s17], $0x80, s3, s17, $0xb8;
	[tilespmem:$0x18100] =	vst v63  }
0x3e: {  	_ =	swait.ge [sflag:s18], $0x4000  }
0x3f: {  	s30 =	simm.s32 $0x80;
	[sflag:s18] =	ssyncset.done $0x0  }
0x40: {  	s31 =	sand.u32 $0x3C00, s30;
	[sflag:s18] =	ssyncadd.s32 $0xFFFFC000  }
0x41: {  	[spmem:s2] =	stream.indirect.scatter.add.f32 [tilespmem:s15], [sflag:$0x2], $0x80, s17, s17, $0xb8;
	[tilespmem:$0x18100] =	vst v63  }
0x42: {  	s24 =	sand.u32 $0x380, s30;
	s23 =	sadd.s32 s8, s31;
	_ =	swait.ge [sflag:s16], $0x4000  }
0x43: {  	s23 =	sor.u32 s24, s23;
	s22 =	simm.s32 $0x100;
	[sflag:s16] =	ssyncset.done $0x0  }
.LBB2_4:
0x44: {  	s23 =	sshrl.u32 s23, $0x3  }
0x45: {  	[sflag:s16] =	ssyncadd.s32 $0xFFFFC000;
	s24 =	smov.u32 s22;
	s25 =	sadd.s32 $0x80, s22  }
0x46: {  	p0 =	sne.s32 s22, $0x2780;
	s22 =	sadd.s32 s5, s23  }
0x47: {  	[tilespmem:s3], [sflag:$0x2] =	stream.linear.gather [hbm4b:s22+s3], $0x80, $0x38;
	[tilespmem:$0x18100] =	vst v63  }
0x48: {  	_ =	swait.ge [sflag:s16], $0x80  }
0x49: {  	[sflag:s16] =	ssyncset.done $0x0  }
0x4a: {  	s22 =	sadd.s32 s6, s23;
	[sflag:s16] =	ssyncadd.s32 $0xFFFFFF80  }
0x4b: {  	[tilespmem:s17], [sflag:$0x2] =	stream.linear.gather [hbm4b:s22+s3], $0x80, $0x38;
	[tilespmem:$0x18100] =	vst v63  }
0x4c: {  	_ =	swait.ge [sflag:s16], $0x80  }
0x4d: {  	[sflag:s16] =	ssyncset.done $0x0  }
0x4e: {  	[sflag:s16] =	ssyncadd.s32 $0xFFFFFF80  }
0x4f: {  	[tilespmem:s15], [sflag:$0x1] =	stream.indirect.gather [hbm4b:s4+s17], $0x80, s3, s17, $0xb8;
	[tilespmem:$0x18100] =	vst v63  }
0x50: {  	_ =	swait.ge [sflag:s18], $0x4000  }
.Ltmp1:
0x51: {  	[sflag:s18] =	ssyncset.done $0x0;
	(pc) =	sbr.rel @p0 .LBB2_4-.Ltmp1, $4  }
0x52: {  	s22 =	sand.u32 $0x3C00, s24;
	[sflag:s18] =	ssyncadd.s32 $0xFFFFC000  }
0x53: {  	[spmem:s2] =	stream.indirect.scatter.add.f32 [tilespmem:s15], [sflag:$0x2], $0x80, s17, s17, $0xb8;
	[tilespmem:$0x18100] =	vst v63  }
0x54: {  	s23 =	sand.u32 $0x380, s24;
	s22 =	sadd.s32 s8, s22;
	_ =	swait.ge [sflag:s16], $0x4000  }
0x55: {  	s23 =	sor.u32 s23, s22;
	s22 =	smov.u32 s25;
	[sflag:s16] =	ssyncset.done $0x0  }
0x56: {  	s22 =	sshrl.u32 s23, $0x3  }
0x57: {  	[sflag:s16] =	ssyncadd.s32 $0xFFFFC000;
	s23 =	sadd.s32 s5, s22  }
0x58: {  	[tilespmem:s3], [sflag:$0x2] =	stream.linear.gather [hbm4b:s23+s3], $0x80, $0x38;
	[tilespmem:$0x18100] =	vst v63  }
0x59: {  	_ =	swait.ge [sflag:s16], $0x80  }
0x5a: {  	[sflag:s16] =	ssyncset.done $0x0  }
0x5b: {  	s22 =	sadd.s32 s6, s22;
	[sflag:s16] =	ssyncadd.s32 $0xFFFFFF80  }
0x5c: {  	[tilespmem:s17], [sflag:$0x2] =	stream.linear.gather [hbm4b:s22+s3], $0x80, $0x38;
	[tilespmem:$0x18100] =	vst v63  }
0x5d: {  	_ =	swait.ge [sflag:s16], $0x80  }
0x5e: {  	[sflag:s16] =	ssyncset.done $0x0  }
0x5f: {  	[sflag:s16] =	ssyncadd.s32 $0xFFFFFF80  }
0x60: {  	[tilespmem:s15], [sflag:$0x1] =	stream.indirect.gather [hbm4b:s4+s17], $0x80, s3, s17, $0xb8;
	[tilespmem:$0x18100] =	vst v63  }
0x61: {  	_ =	swait.ge [sflag:s18], $0x4000  }
0x62: {  	[sflag:s18] =	ssyncset.done $0x0  }
0x63: {  	[sflag:s18] =	ssyncadd.s32 $0xFFFFC000  }
0x64: {  	[spmem:s2] =	stream.indirect.scatter.add.f32 [tilespmem:s15], [sflag:$0x2], $0x80, s17, s17, $0xb8;
	[tilespmem:$0x18100] =	vst v63  }
0x65: {  	_ =	swait.ge [sflag:s16], $0x4000  }
0x66: {  	s21 =	sadd.s32 $0x1, s21;
	[sflag:s16] =	ssyncset.done $0x0  }
0x67: {  	p0 =	sne.s32 s21, s10;
	[sflag:s16] =	ssyncadd.s32 $0xFFFFC000  }
.Ltmp2:
0x68: {  	[bflag:$0x0] =	sbarrier.arrive $0xFFFF;
	(pc) =	sbr.rel @p0 .LBB2_1-.Ltmp2, $4  }
0x69: {  	[hbm:s9], [sflag:s19] =	dma.local [spmem:s20], $0x2800  }
0x6a: {  	_ =	swait.ge [sflag:s16], $0x2800  }
0x6b: {  	[sflag:s16] =	ssyncset.done $0x0  }
0x6c: {  	[sflag:s16] =	ssyncadd.s32 $0xFFFFD800  }
0x6d: {  	_ =	sfence.sel $0x180000  }
0x6e: {  	[bflag:$0x0] =	sbarrier.arrive $0xFFFF  }
0x6f: {  	p0 =	sne.s32 s1, $0x0;
	_ =	strace $0x9000004A  }
0x70: {  	s0 =	sadd.s32 @!p0 $0x100000, s0;
	[bflag:$0x2] =	sbarrier.arrive $0xFFFF  }
0x71: {  	[sflag:s0] =	ssyncadd.tile.s32 @!p0 $0x1;
	_ =	shalt  }
.Lfunc_end2:
_tile_overlayer_lowered:
.L_overlay_start_2:
0x72: {  	(tag) =	ssettag $0x2  }
0x73: {  	s0 =	rddreg [dreg:$0x0];
	s2 =	stileid.u32  }
0x74: {  	s1 =	rddreg [dreg:$0x1];
	p0 =	sne.s32 s2, $0x0  }
0x75: {  	s3 =	rddreg [dreg:$0x2];
	[bflag:$0x3] =	sbarrier.arrive $0xFFFF;
	s2 =	simm.s32 @!p0 $0x1C02  }
0x76: {  	[timem:s3], [sflag:s2] =	dma.local @!p0 [hbm:s0], s1  }
0x77: {  	s0 =	simm.s32 @!p0 $0x2  }
0x78: {  	_ =	swait.ge @!p0 [sflag:s0], s1  }
0x79: {  	s1 =	ssub.s32 @!p0 $0x0, s1;
	[sflag:s0] =	ssyncset.done @!p0 $0x0  }
0x7a: {  	[sflag:s0] =	ssyncadd.s32 @!p0 s1  }
0x7b: {  	[bflag:$0x3] =	sbarrier.arrive $0xFFFF  }
0x7c: {  	_ =	shalt  }

// kernel: kernel.16.cloned.1.call-start
scs
__scs_entry_jumppad:
0x0: {  	(pc) =	sbr.rel $0x88, $3  }
0x1: {  	(tag) =	ssettag $0x0;
	lr =	simm.s32 $0x1  }
0x2: {  	[smem:$0x3F8E] =	sst lr;
	_ =	strace $0xD0000000  }
0x3: {  	_ = 	snop  }
0x4: {  	_ = 	snop  }
0x5: {  	_ = 	snop  }
0x6: {  	_ = 	snop  }
0x7: {  	_ = 	snop  }
__scs_overlays_trampoline_lowered:
0x8: {  	[smem:$0x3F9D] =	sst s0  }
0x9: {  	[smem:$0x3F9E] =	sst s1  }
0xa: {  	[smem:$0x3F9F] =	sst s2  }
0xb: {  	[smem:$0x3FA0] =	sst s3  }
0xc: {  	[smem:$0x3FA1] =	sst s4  }
0xd: {  	[smem:$0x3FA2] =	sst s5  }
0xe: {  	[smem:$0x3FA3] =	sst s6  }
0xf: {  	[smem:$0x3FA4] =	sst s7  }
0x10: {  	[smem:$0x3FA5] =	sst s8  }
0x11: {  	[smem:$0x3FA6] =	sst s9;
	s0 =	simm.s32 @!p0 $0x0  }
0x12: {  	s1 =	sld [smem:$0x3F8C];
	s0 =	simm.s32 @p0 $0x1  }
0x13: {  	[smem:$0x3FA7] =	sst s0;
	s0 =	simm.s32 @!p1 $0x0  }
0x14: {  	s2 =	sld [smem:$0x3F8B];
	s0 =	simm.s32 @p1 $0x1  }
0x15: {  	[smem:$0x3FA8] =	sst s0;
	s0 =	simm.s32 @!p2 $0x0  }
0x16: {  	s3 =	sld [smem:$0x3FDB];
	s0 =	simm.s32 @p2 $0x1  }
0x17: {  	s4 =	simm.s32 $0x1BF5;
	[smem:$0x3FAA] =	sst s0  }
0x18: {  	s0 =	sld [smem:$0x3F8D];
	_ =	swait.ge [sflag:s4], $0x0  }
0x19: {  	s7 =	sld [smem:$0x3F8E]  }
0x1a: {  	s8 =	sadd.s32 $0xFFFFE003, lr  }
0x1b: {  	s9 =	sadd.s32 $0xFFFFFEF7, lr;
	s5 =	simm.s32 $0xFFFFFFFF;
	p2 =	slt.u32 s8, $0xFFFFF086  }
0x1c: {  	p1 =	slt.u32 s9, $0xF7A;
	s5 =	simm.s32 @!p2 $0x0  }
0x1d: {  	s5 =	simm.s32 @p1 $0x1;
	p0 =	seq.s32 s7, s2  }
0x1e: {  	s7 =	smul.u32 @!p0 $0xF7A, s2;
	p2 =	seq.s32 @!p0 s5, $0x0  }
0x1f: {  	s9 =	smul.u32 $0xF7A, s1;
	s8 =	simm.s32 @!p0 $0x1BF5;
	p2 =	por !p2, p0  }
0x20: {  	[sflag:s8] =	ssyncset.s32 @!p0 $0xFFFFF086;
	s6 =	sadd.s32 @!p0 s3, s7;
	s7 =	simm.s32 @!p0 $0x108  }
0x21: {  	s3 =	sadd.s32 s3, s9;
	s6 =	sadd.s32 @!p0 $0x88, s6;
	s7 =	simm.s32 @p2 $0x1082  }
0x22: {  	[simem:s7], [sflag:s8] =	dma.local @!p0 [hbm:s6], $0xF7A  }
0x23: {  	s9 =	sor.u32 $0xD0000000, s2;
	s6 =	simm.s32 $0x108;
	_ =	swait.ge @!p0 [sflag:s8], $0x0  }
0x24: {  	s3 =	sadd.s32 $0x88, s3;
	s6 =	simm.s32 @!p1 $0x1082;
	[sflag:s4] =	ssyncset.s32 $0xFFFFF086  }
0x25: {  	[simem:s6], [sflag:s4] =	dma.local [hbm:s3], $0xF7A  }
0x26: {  	[smem:$0x3F8E] =	sst s1;
	(tag) =	ssettag s2;
	_ =	strace s9  }
0x27: {  	s1 =	sld [smem:$0x3F9E]  }
0x28: {  	s2 =	sld [smem:$0x3F9F]  }
0x29: {  	s4 =	sld [smem:$0x3FA1]  }
0x2a: {  	p0 =	seq.s32 s5, $0x0;
	s5 =	sld [smem:$0x3FA2]  }
0x2b: {  	s6 =	sld [smem:$0x3FA3]  }
0x2c: {  	s7 =	sld [smem:$0x3FA4]  }
0x2d: {  	s3 =	simm.s32 $0x108;
	s8 =	sld [smem:$0x3FA5]  }
0x2e: {  	s3 =	simm.s32 @!p0 $0x1082;
	s9 =	sld [smem:$0x3FA6]  }
0x2f: {  	lr =	sadd.s32 s0, s3;
	s0 =	sld [smem:$0x3F9D]  }
0x30: {  	s3 =	sld [smem:$0x3FA0]  }
0x31: {  	[smem:$0x3FA9] =	sst s10  }
0x32: {  	s10 =	sld [smem:$0x3FA7];
	_ =	sdelay $0x3  }
0x33: {  	p0 =	seq.s32 s10, $0x1;
	s10 =	sld [smem:$0x3FA9];
	_ =	sdelay $0x3  }
0x34: {  	[smem:$0x3FA9] =	sst s10  }
0x35: {  	s10 =	sld [smem:$0x3FA8];
	_ =	sdelay $0x3  }
0x36: {  	p1 =	seq.s32 s10, $0x1;
	s10 =	sld [smem:$0x3FA9];
	_ =	sdelay $0x3  }
0x37: {  	[smem:$0x3FA9] =	sst s10  }
0x38: {  	s10 =	sld [smem:$0x3FAA]  }
0x39: {  	_ = 	snop;
	(pc) =	sbr.ind lr, $3  }
0x3a: {  	_ = 	snop  }
0x3b: {  	_ = 	snop  }
0x3c: {  	p2 =	seq.s32 s10, $0x1;
	s10 =	sld [smem:$0x3FA9]  }
0x3d: {  	_ =	shalt  }
0x3e: {  	_ =	shalt  }
0x3f: {  	_ =	shalt  }
0x40: {  	_ =	shalt  }
0x41: {  	_ =	shalt  }
0x42: {  	_ =	shalt  }
0x43: {  	_ =	shalt  }
0x44: {  	_ =	shalt  }
0x45: {  	_ =	shalt  }
0x46: {  	_ =	shalt  }
0x47: {  	_ =	shalt  }
0x48: {  	_ =	shalt  }
0x49: {  	_ =	shalt  }
0x4a: {  	_ =	shalt  }
0x4b: {  	_ =	shalt  }
0x4c: {  	_ =	shalt  }
0x4d: {  	_ =	shalt  }
0x4e: {  	_ =	shalt  }
0x4f: {  	_ =	shalt  }
0x50: {  	_ =	shalt  }
0x51: {  	_ =	shalt  }
0x52: {  	_ =	shalt  }
0x53: {  	_ =	shalt  }
0x54: {  	_ =	shalt  }
0x55: {  	_ =	shalt  }
0x56: {  	_ =	shalt  }
0x57: {  	_ =	shalt  }
0x58: {  	_ =	shalt  }
0x59: {  	_ =	shalt  }
0x5a: {  	_ =	shalt  }
0x5b: {  	_ =	shalt  }
0x5c: {  	_ =	shalt  }
0x5d: {  	_ =	shalt  }
0x5e: {  	_ =	shalt  }
0x5f: {  	_ =	shalt  }
0x60: {  	_ =	shalt  }
0x61: {  	_ =	shalt  }
0x62: {  	_ =	shalt  }
0x63: {  	_ =	shalt  }
0x64: {  	_ =	shalt  }
0x65: {  	_ =	shalt  }
0x66: {  	_ =	shalt  }
0x67: {  	_ =	shalt  }
0x68: {  	_ =	shalt  }
0x69: {  	_ =	shalt  }
0x6a: {  	_ =	shalt  }
0x6b: {  	_ =	shalt  }
0x6c: {  	_ =	shalt  }
0x6d: {  	_ =	shalt  }
0x6e: {  	_ =	shalt  }
0x6f: {  	_ =	shalt  }
0x70: {  	_ =	shalt  }
0x71: {  	_ =	shalt  }
0x72: {  	_ =	shalt  }
0x73: {  	_ =	shalt  }
0x74: {  	_ =	shalt  }
0x75: {  	_ =	shalt  }
0x76: {  	_ =	shalt  }
0x77: {  	_ =	shalt  }
0x78: {  	_ =	shalt  }
0x79: {  	_ =	shalt  }
0x7a: {  	_ =	shalt  }
0x7b: {  	_ =	shalt  }
0x7c: {  	_ =	shalt  }
0x7d: {  	_ =	shalt  }
0x7e: {  	_ =	shalt  }
0x7f: {  	_ =	shalt  }
0x80: {  	_ =	shalt  }
0x81: {  	_ =	shalt  }
0x82: {  	_ =	shalt  }
0x83: {  	_ =	shalt  }
0x84: {  	_ =	shalt  }
0x85: {  	_ =	shalt  }
0x86: {  	_ =	shalt  }
0x87: {  	_ =	shalt  }
.Lfunc_end0:
.L_simem_size_0:
called_computation.2_lowered:
.L_overlay_start_0:
0x88: {  	s2 =	sld [smem:$0x3FD9]  }
0x89: {  	s3 =	sld [smem:$0x3FFE];
	_ =	sdelay $0x1  }
0x8a: {  	s1 =	srdreg.scid  }
0x8b: {  	s0 =	sand.u32 $0x1, s1  }
0x8c: {  	s16 =	sshll.u32 s0, $0xA;
	s2 =	sadd.s32 s3, s2  }
0x8d: {  	s2 =	sadd.s32 s2, s16  }
0x8e: {  	[smem:$0x3FB5] =	sst s2  }
0x8f: {  	_ = 	snop  }
0x90: {  	(tm) =	ssettm $0x1  }
0x91: {  	s17 =	sld [smem:$0x3FFB];
	_ =	sdelay $0x3  }
0x92: {  	_ =	strace s17  }
0x93: {  	s2 =	sld [smem:$0x3FFC];
	_ =	sdelay $0x3  }
0x94: {  	_ =	strace s2  }
0x95: {  	s2 =	sld [smem:$0x3FFD];
	_ =	sdelay $0x3  }
0x96: {  	_ =	strace s2  }
0x97: {  	_ =	strace $0x8FFFFFFF  }
0x98: {  	s18 =	sld [smem:$0x3FDB];
	_ =	sdelay $0x1  }
0x99: {  	s19 =	simm.s32 $_scs_section_size  }
0x9a: {  	s4 =	simm.s32 $_size__tile_overlayer_lowered;
	s5 =	simm.s32 $_tile_overlayer_lowered  }
0x9b: {  	s22 =	simm.s32 $0x1BFF;
	s21 =	sshll.u32 s5, $0x1;
	s2 =	sadd.s32 s19, s18  }
0x9c: {  	s6 =	simm.s32 $0x0;
	s20 =	sshll.u32 s4, $0x1;
	s4 =	sadd.s32 s21, s2  }
0x9d: {  	[timem:s6], [sflag:s22] =	dma.local [hbm:s4], s20  }
0x9e: {  	_ =	swait.ge [sflag:s22], s20  }
0x9f: {  	s3 =	ssub.s32 $0x0, s20;
	[sflag:s22] =	ssyncset.done $0x0  }
0xa0: {  	[sflag:s22] =	ssyncadd.s32 s3;
	_ =	sdelay $0x1  }
0xa1: {  	s23 =	simm.s32 $0x1B8B  }
0xa2: {  	_ =	swait.ge [sflag:s23], $0x1  }
0xa3: {  	[sflag:s23] =	ssyncset.done $0x0  }
0xa4: {  	s25 =	simm.s32 $0x1B8E;
	s24 =	sld [smem:$0x3FFE];
	[sflag:s23] =	ssyncadd.s32 $0xFFFFFFFF  }
0xa5: {  	s26 =	simm.s32 $execute0_lowered;
	[smem:$0x3FD2] =	sst s25  }
0xa6: {  	s4 =	sshll.u32 s26, $0x1;
	_ =	strace $0x8000004C;
	[dreg:$0x1] =	wrdreg $0xFFFFFFFF  }
0xa7: {  	s28 =	simm.s32 $_size_execute0_lowered;
	s2 =	sadd.s32 s2, s4;
	[dreg:$0x0] =	wrdreg $0x0  }
0xa8: {  	s4 =	sshll.u32 s28, $0x1;
	[dreg:$0x2] =	wrdreg s2  }
0xa9: {  	[dreg:$0x3] =	wrdreg s4  }
0xaa: {  	[dreg:$0x4] =	wrdreg $0xC0  }
0xab: {  	_ =	task [dreg:s6], $0x5FFFF  }
0xac: {  	[dreg:$0x1] =	wrdreg $0xFFFFFFFF  }
0xad: {  	[dreg:$0x0] =	wrdreg $0x60  }
0xae: {  	[dreg:$0x2] =	wrdreg s24  }
0xaf: {  	[dreg:$0x3] =	wrdreg $0x41000  }
0xb0: {  	[dreg:$0x4] =	wrdreg $0x9  }
0xb1: {  	_ =	task.clear_ibuf [dreg:s6], $0x5FFFF;
	_ =	strace $0x9000004C  }
0xb2: {  	s29 =	simm.s32 $0x9;
	_ =	strace $0x8000004E  }
0xb3: {  	_ =	swait.ge [sflag:s29], $0x1  }
0xb4: {  	[sflag:s29] =	ssyncadd.s32 $0xFFFFFFFF  }
0xb5: {  	_ =	strace $0x9000004E  }
0xb6: {  	_ =	sfence  }
0xb7: {  	s30 =	sld [smem:$0x0];
	_ =	sdelay $0x2  }
0xb8: {  	s31 =	sshll.u32 s1, $0xD;
	s1 =	sshrl.u32 s1, $0x2  }
0xb9: {  	s3 =	sand.u32 $0x4000, s31;
	s1 =	sadd.s32 s1, s30  }
0xba: {  	s0 =	sor.u32 s3, s0;
	s1 =	sshll.u32 s1, $0x11  }
0xbb: {  	s0 =	sor.u32 s1, s0  }
0xbc: {  	s0 =	sadd.s32 $0x8F2B, s0  }
0xbd: {  	[sflag:s0] =	ssyncadd.remote.s32 $0x1  }
0xbe: {  	_ =	sfence.sel $0xFFFF  }
0xbf: {  	[dreg:$0x0] =	wrdreg $0xFFFFFFFF;
	(pc) =	sbr.abs _section_cstart, $3  }
0xc0: {  	[dreg:$0x1] =	wrdreg $0xFFFFFFFF  }
0xc1: {  	_ =	task.clear_ibuf [dreg:s6], $0x2FFFF;
	_ =	strace $0x9FFFFFFF  }
0xc2: {  	(tm) =	ssettm $0x7FFFFFFF  }
0xc3: {  	_ =	shalt  }
tec
execute0_lowered:
.L_overlay_start_1:
0x0: {  	(tag) =	ssettag $0x1  }
0x1: {  	s7 =	rddreg [dreg:$0x0];
	s0 =	srdreg.scid  }
0x2: {  	s2 =	rddreg [dreg:$0x1];
	s1 =	stileid.u32  }
0x3: {  	s3 =	simm.s32 $0x0;
	s15 =	simm.s32 $0x100;
	s16 =	simm.s32 $0x2  }
0x4: {  	s17 =	simm.s32 $0x80;
	s18 =	simm.s32 $0x1;
	s21 =	simm.s32 $0x0  }
0x5: {  	s8 =	sand.u32 $0x1, s0;
	s0 =	rddreg [dreg:$0x2];
	s6 =	smul.u32 $0x14000, s1  }
0x6: {  	[smem:$0x7FF] =	sst s3;
	s4 =	sadd.s32 $0xE800, s7;
	s10 =	smul.u32 $0x50000, s1  }
0x7: {  	s12 =	sshll.u32 s1, $0x1;
	s19 =	sshll.u32 s1, $0x6;
	s5 =	smul.u32 $0x140000, s8  }
0x8: {  	_ =	strace $0x8000004D;
	s31 =	ssub.s32 $0x2, s8;
	s8 =	sor.u32 s8, s12  }
0x9: {  	s19 =	sor.u32 $0x1C02, s19;
	s11 =	sshrl.u32 s31, $0x1;
	s10 =	sshrl.u32 s10, $0x2  }
0xa: {  	s8 =	smul.u32 $0x2800, s8;
	s6 =	sadd.s32 s6, s5;
	s5 =	sadd.s32 $0x5E800, s7  }
0xb: {  	s11 =	ssub.s32 s31, s11;
	s9 =	sshrl.u32 s6, $0x3;
	s6 =	sadd.s32 $0x4800, s7  }
0xc: {  	s9 =	sadd.s32 s9, s7;
	s7 =	sadd.s32 s10, s2;
	s10 =	smax.u32 s11, $0x1  }
0xd: {  	s9 =	sadd.s32 $0x68800, s9;
	s11 =	sadd.s32 $0x4000, s7;
	s12 =	sadd.s32 $0x8000, s7  }
0xe: {  	v0 =	vimm.f32 $0.0e+00;
	s13 =	sadd.s32 $0xC000, s7;
	s14 =	sadd.s32 $0x10000, s7;
	s20 =	sshrl.u32 s7, $0x3  }
.LBB2_1:
0xf: {  	s22 =	simm.s32 $0x0;
	s23 =	simm.s32 $0x200  }
.LBB2_2:
0x10: {  	p0 =	sne.s32 s23, $0xFE00;
	[tilespmem:s22+$0x170] =	vst v0  }
0x11: {  	[tilespmem:s22+$0x100] =	vst v0  }
0x12: {  	[tilespmem:s22+$0x110] =	vst v0  }
.Ltmp0:
0x13: {  	[tilespmem:s22+$0x120] =	vst v0;
	(pc) =	sbr.rel @p0 .LBB2_2-.Ltmp0, $4  }
0x14: {  	[tilespmem:s22+$0x130] =	vst v0  }
0x15: {  	[tilespmem:s22+$0x140] =	vst v0  }
0x16: {  	[tilespmem:s22+$0x150] =	vst v0  }
0x17: {  	[tilespmem:s22+$0x160] =	vst v0;
	s22 =	sshra.s32 s23, $0x2;
	s23 =	sadd.s32 $0x200, s23  }
0x18: {  	[tilespmem:s22+$0x170] =	vst v0  }
0x19: {  	[tilespmem:s22+$0x100] =	vst v0  }
0x1a: {  	[tilespmem:s22+$0x110] =	vst v0  }
0x1b: {  	[tilespmem:s22+$0x120] =	vst v0  }
0x1c: {  	[tilespmem:s22+$0x130] =	vst v0  }
0x1d: {  	[tilespmem:s22+$0x140] =	vst v0  }
0x1e: {  	[tilespmem:s22+$0x150] =	vst v0  }
0x1f: {  	[tilespmem:s22+$0x160] =	vst v0  }
0x20: {  	[spmem:s7] =	stream.linear.scatter [tilespmem:s15], [sflag:$0x2], $0x4000, $0x38;
	[tilespmem:$0x18100] =	vst v63  }
0x21: {  	_ =	swait.ge [sflag:s16], $0x4000  }
0x22: {  	[sflag:s16] =	ssyncset.done $0x0  }
0x23: {  	[sflag:s16] =	ssyncadd.s32 $0xFFFFC000  }
0x24: {  	[spmem:s11] =	stream.linear.scatter [tilespmem:s15], [sflag:$0x2], $0x4000, $0x38;
	[tilespmem:$0x18100] =	vst v63  }
0x25: {  	_ =	swait.ge [sflag:s16], $0x4000  }
0x26: {  	[sflag:s16] =	ssyncset.done $0x0  }
0x27: {  	[sflag:s16] =	ssyncadd.s32 $0xFFFFC000  }
0x28: {  	[spmem:s12] =	stream.linear.scatter [tilespmem:s15], [sflag:$0x2], $0x4000, $0x38;
	[tilespmem:$0x18100] =	vst v63  }
0x29: {  	_ =	swait.ge [sflag:s16], $0x4000  }
0x2a: {  	[sflag:s16] =	ssyncset.done $0x0  }
0x2b: {  	[sflag:s16] =	ssyncadd.s32 $0xFFFFC000  }
0x2c: {  	[spmem:s13] =	stream.linear.scatter [tilespmem:s15], [sflag:$0x2], $0x4000, $0x38;
	[tilespmem:$0x18100] =	vst v63  }
0x2d: {  	_ =	swait.ge [sflag:s16], $0x4000  }
0x2e: {  	s28 =	simm.s32 $0x0;
	[sflag:s16] =	ssyncset.done $0x0  }
0x2f: {  	s23 =	sand.u32 $0x3C00, s28;
	[sflag:s16] =	ssyncadd.s32 $0xFFFFC000  }
0x30: {  	[spmem:s14] =	stream.linear.scatter [tilespmem:s15], [sflag:$0x2], $0x4000, $0x38;
	[tilespmem:$0x18100] =	vst v63  }
0x31: {  	s22 =	sand.u32 $0x380, s28;
	s23 =	sadd.s32 s8, s23;
	_ =	swait.ge [sflag:s16], $0x4000  }
0x32: {  	s22 =	sor.u32 s22, s23;
	[sflag:s16] =	ssyncset.done $0x0  }
0x33: {  	s22 =	sshrl.u32 s22, $0x3;
	[sflag:s16] =	ssyncadd.s32 $0xFFFFC000  }
0x34: {  	s29 =	sadd.s32 s5, s22;
	[bflag:$0x0] =	sbarrier.arrive $0xFFFF  }
0x35: {  	[tilespmem:s3], [sflag:$0x2] =	stream.linear.gather [hbm4b:s29+s3], $0x80, $0x38;
	[tilespmem:$0x18100] =	vst v63  }
0x36: {  	_ =	swait.ge [sflag:s16], $0x80  }
0x37: {  	[sflag:s16] =	ssyncset.done $0x0  }
0x38: {  	s22 =	sadd.s32 s6, s22;
	[sflag:s16] =	ssyncadd.s32 $0xFFFFFF80  }
0x39: {  	[tilespmem:s17], [sflag:$0x2] =	stream.linear.gather [hbm4b:s22+s3], $0x80, $0x38;
	[tilespmem:$0x18100] =	vst v63  }
0x3a: {  	_ =	swait.ge [sflag:s16], $0x80  }
0x3b: {  	[sflag:s16] =	ssyncset.done $0x0  }
0x3c: {  	[sflag:s16] =	ssyncadd.s32 $0xFFFFFF80  }
0x3d: {  	[tilespmem:s15], [sflag:$0x1] =	stream.indirect.gather [hbm4b:s4+s17], $0x80, s3, s17, $0xb8;
	[tilespmem:$0x18100] =	vst v63  }
0x3e: {  	_ =	swait.ge [sflag:s18], $0x4000  }
0x3f: {  	s30 =	simm.s32 $0x80;
	[sflag:s18] =	ssyncset.done $0x0  }
0x40: {  	s31 =	sand.u32 $0x3C00, s30;
	[sflag:s18] =	ssyncadd.s32 $0xFFFFC000  }
0x41: {  	[spmem:s2] =	stream.indirect.scatter.add.f32 [tilespmem:s15], [sflag:$0x2], $0x80, s17, s17, $0xb8;
	[tilespmem:$0x18100] =	vst v63  }
0x42: {  	s24 =	sand.u32 $0x380, s30;
	s23 =	sadd.s32 s8, s31;
	_ =	swait.ge [sflag:s16], $0x4000  }
0x43: {  	s23 =	sor.u32 s24, s23;
	s22 =	simm.s32 $0x100;
	[sflag:s16] =	ssyncset.done $0x0  }
.LBB2_4:
0x44: {  	s23 =	sshrl.u32 s23, $0x3  }
0x45: {  	[sflag:s16] =	ssyncadd.s32 $0xFFFFC000;
	s24 =	smov.u32 s22;
	s25 =	sadd.s32 $0x80, s22  }
0x46: {  	p0 =	sne.s32 s22, $0x2780;
	s22 =	sadd.s32 s5, s23  }
0x47: {  	[tilespmem:s3], [sflag:$0x2] =	stream.linear.gather [hbm4b:s22+s3], $0x80, $0x38;
	[tilespmem:$0x18100] =	vst v63  }
0x48: {  	_ =	swait.ge [sflag:s16], $0x80  }
0x49: {  	[sflag:s16] =	ssyncset.done $0x0  }
0x4a: {  	s22 =	sadd.s32 s6, s23;
	[sflag:s16] =	ssyncadd.s32 $0xFFFFFF80  }
0x4b: {  	[tilespmem:s17], [sflag:$0x2] =	stream.linear.gather [hbm4b:s22+s3], $0x80, $0x38;
	[tilespmem:$0x18100] =	vst v63  }
0x4c: {  	_ =	swait.ge [sflag:s16], $0x80  }
0x4d: {  	[sflag:s16] =	ssyncset.done $0x0  }
0x4e: {  	[sflag:s16] =	ssyncadd.s32 $0xFFFFFF80  }
0x4f: {  	[tilespmem:s15], [sflag:$0x1] =	stream.indirect.gather [hbm4b:s4+s17], $0x80, s3, s17, $0xb8;
	[tilespmem:$0x18100] =	vst v63  }
0x50: {  	_ =	swait.ge [sflag:s18], $0x4000  }
.Ltmp1:
0x51: {  	[sflag:s18] =	ssyncset.done $0x0;
	(pc) =	sbr.rel @p0 .LBB2_4-.Ltmp1, $4  }
0x52: {  	s22 =	sand.u32 $0x3C00, s24;
	[sflag:s18] =	ssyncadd.s32 $0xFFFFC000  }
0x53: {  	[spmem:s2] =	stream.indirect.scatter.add.f32 [tilespmem:s15], [sflag:$0x2], $0x80, s17, s17, $0xb8;
	[tilespmem:$0x18100] =	vst v63  }
0x54: {  	s23 =	sand.u32 $0x380, s24;
	s22 =	sadd.s32 s8, s22;
	_ =	swait.ge [sflag:s16], $0x4000  }
0x55: {  	s23 =	sor.u32 s23, s22;
	s22 =	smov.u32 s25;
	[sflag:s16] =	ssyncset.done $0x0  }
0x56: {  	s22 =	sshrl.u32 s23, $0x3  }
0x57: {  	[sflag:s16] =	ssyncadd.s32 $0xFFFFC000;
	s23 =	sadd.s32 s5, s22  }
0x58: {  	[tilespmem:s3], [sflag:$0x2] =	stream.linear.gather [hbm4b:s23+s3], $0x80, $0x38;
	[tilespmem:$0x18100] =	vst v63  }
0x59: {  	_ =	swait.ge [sflag:s16], $0x80  }
0x5a: {  	[sflag:s16] =	ssyncset.done $0x0  }
0x5b: {  	s22 =	sadd.s32 s6, s22;
	[sflag:s16] =	ssyncadd.s32 $0xFFFFFF80  }
0x5c: {  	[tilespmem:s17], [sflag:$0x2] =	stream.linear.gather [hbm4b:s22+s3], $0x80, $0x38;
	[tilespmem:$0x18100] =	vst v63  }
0x5d: {  	_ =	swait.ge [sflag:s16], $0x80  }
0x5e: {  	[sflag:s16] =	ssyncset.done $0x0  }
0x5f: {  	[sflag:s16] =	ssyncadd.s32 $0xFFFFFF80  }
0x60: {  	[tilespmem:s15], [sflag:$0x1] =	stream.indirect.gather [hbm4b:s4+s17], $0x80, s3, s17, $0xb8;
	[tilespmem:$0x18100] =	vst v63  }
0x61: {  	_ =	swait.ge [sflag:s18], $0x4000  }
0x62: {  	[sflag:s18] =	ssyncset.done $0x0  }
0x63: {  	[sflag:s18] =	ssyncadd.s32 $0xFFFFC000  }
0x64: {  	[spmem:s2] =	stream.indirect.scatter.add.f32 [tilespmem:s15], [sflag:$0x2], $0x80, s17, s17, $0xb8;
	[tilespmem:$0x18100] =	vst v63  }
0x65: {  	_ =	swait.ge [sflag:s16], $0x4000  }
0x66: {  	s21 =	sadd.s32 $0x1, s21;
	[sflag:s16] =	ssyncset.done $0x0  }
0x67: {  	p0 =	sne.s32 s21, s10;
	[sflag:s16] =	ssyncadd.s32 $0xFFFFC000  }
.Ltmp2:
0x68: {  	[bflag:$0x0] =	sbarrier.arrive $0xFFFF;
	(pc) =	sbr.rel @p0 .LBB2_1-.Ltmp2, $4  }
0x69: {  	[hbm:s9], [sflag:s19] =	dma.local [spmem:s20], $0x2800  }
0x6a: {  	_ =	swait.ge [sflag:s16], $0x2800  }
0x6b: {  	[sflag:s16] =	ssyncset.done $0x0  }
0x6c: {  	[sflag:s16] =	ssyncadd.s32 $0xFFFFD800  }
0x6d: {  	_ =	sfence.sel $0x180000  }
0x6e: {  	[bflag:$0x0] =	sbarrier.arrive $0xFFFF  }
0x6f: {  	p0 =	sne.s32 s1, $0x0;
	_ =	strace $0x9000004D  }
0x70: {  	s0 =	sadd.s32 @!p0 $0x100000, s0;
	[bflag:$0x2] =	sbarrier.arrive $0xFFFF  }
0x71: {  	[sflag:s0] =	ssyncadd.tile.s32 @!p0 $0x1;
	_ =	shalt  }
.Lfunc_end2:
_tile_overlayer_lowered:
.L_overlay_start_2:
0x72: {  	(tag) =	ssettag $0x2  }
0x73: {  	s0 =	rddreg [dreg:$0x0];
	s2 =	stileid.u32  }
0x74: {  	s1 =	rddreg [dreg:$0x1];
	p0 =	sne.s32 s2, $0x0  }
0x75: {  	s3 =	rddreg [dreg:$0x2];
	[bflag:$0x3] =	sbarrier.arrive $0xFFFF;
	s2 =	simm.s32 @!p0 $0x1C02  }
0x76: {  	[timem:s3], [sflag:s2] =	dma.local @!p0 [hbm:s0], s1  }
0x77: {  	s0 =	simm.s32 @!p0 $0x2  }
0x78: {  	_ =	swait.ge @!p0 [sflag:s0], s1  }
0x79: {  	s1 =	ssub.s32 @!p0 $0x0, s1;
	[sflag:s0] =	ssyncset.done @!p0 $0x0  }
0x7a: {  	[sflag:s0] =	ssyncadd.s32 @!p0 s1  }
0x7b: {  	[bflag:$0x3] =	sbarrier.arrive $0xFFFF  }
0x7c: {  	_ =	shalt  }

// kernel: kernel.19.cloned.1.call-start
scs
__scs_entry_jumppad:
0x0: {  	(pc) =	sbr.rel $0x88, $3  }
0x1: {  	(tag) =	ssettag $0x0;
	lr =	simm.s32 $0x1  }
0x2: {  	[smem:$0x3F8E] =	sst lr;
	_ =	strace $0xD0000000  }
0x3: {  	_ = 	snop  }
0x4: {  	_ = 	snop  }
0x5: {  	_ = 	snop  }
0x6: {  	_ = 	snop  }
0x7: {  	_ = 	snop  }
__scs_overlays_trampoline_lowered:
0x8: {  	[smem:$0x3F9D] =	sst s0  }
0x9: {  	[smem:$0x3F9E] =	sst s1  }
0xa: {  	[smem:$0x3F9F] =	sst s2  }
0xb: {  	[smem:$0x3FA0] =	sst s3  }
0xc: {  	[smem:$0x3FA1] =	sst s4  }
0xd: {  	[smem:$0x3FA2] =	sst s5  }
0xe: {  	[smem:$0x3FA3] =	sst s6  }
0xf: {  	[smem:$0x3FA4] =	sst s7  }
0x10: {  	[smem:$0x3FA5] =	sst s8  }
0x11: {  	[smem:$0x3FA6] =	sst s9;
	s0 =	simm.s32 @!p0 $0x0  }
0x12: {  	s1 =	sld [smem:$0x3F8C];
	s0 =	simm.s32 @p0 $0x1  }
0x13: {  	[smem:$0x3FA7] =	sst s0;
	s0 =	simm.s32 @!p1 $0x0  }
0x14: {  	s2 =	sld [smem:$0x3F8B];
	s0 =	simm.s32 @p1 $0x1  }
0x15: {  	[smem:$0x3FA8] =	sst s0;
	s0 =	simm.s32 @!p2 $0x0  }
0x16: {  	s3 =	sld [smem:$0x3FDB];
	s0 =	simm.s32 @p2 $0x1  }
0x17: {  	s4 =	simm.s32 $0x1BF5;
	[smem:$0x3FAA] =	sst s0  }
0x18: {  	s0 =	sld [smem:$0x3F8D];
	_ =	swait.ge [sflag:s4], $0x0  }
0x19: {  	s7 =	sld [smem:$0x3F8E]  }
0x1a: {  	s8 =	sadd.s32 $0xFFFFE003, lr  }
0x1b: {  	s9 =	sadd.s32 $0xFFFFFEF7, lr;
	s5 =	simm.s32 $0xFFFFFFFF;
	p2 =	slt.u32 s8, $0xFFFFF086  }
0x1c: {  	p1 =	slt.u32 s9, $0xF7A;
	s5 =	simm.s32 @!p2 $0x0  }
0x1d: {  	s5 =	simm.s32 @p1 $0x1;
	p0 =	seq.s32 s7, s2  }
0x1e: {  	s7 =	smul.u32 @!p0 $0xF7A, s2;
	p2 =	seq.s32 @!p0 s5, $0x0  }
0x1f: {  	s9 =	smul.u32 $0xF7A, s1;
	s8 =	simm.s32 @!p0 $0x1BF5;
	p2 =	por !p2, p0  }
0x20: {  	[sflag:s8] =	ssyncset.s32 @!p0 $0xFFFFF086;
	s6 =	sadd.s32 @!p0 s3, s7;
	s7 =	simm.s32 @!p0 $0x108  }
0x21: {  	s3 =	sadd.s32 s3, s9;
	s6 =	sadd.s32 @!p0 $0x88, s6;
	s7 =	simm.s32 @p2 $0x1082  }
0x22: {  	[simem:s7], [sflag:s8] =	dma.local @!p0 [hbm:s6], $0xF7A  }
0x23: {  	s9 =	sor.u32 $0xD0000000, s2;
	s6 =	simm.s32 $0x108;
	_ =	swait.ge @!p0 [sflag:s8], $0x0  }
0x24: {  	s3 =	sadd.s32 $0x88, s3;
	s6 =	simm.s32 @!p1 $0x1082;
	[sflag:s4] =	ssyncset.s32 $0xFFFFF086  }
0x25: {  	[simem:s6], [sflag:s4] =	dma.local [hbm:s3], $0xF7A  }
0x26: {  	[smem:$0x3F8E] =	sst s1;
	(tag) =	ssettag s2;
	_ =	strace s9  }
0x27: {  	s1 =	sld [smem:$0x3F9E]  }
0x28: {  	s2 =	sld [smem:$0x3F9F]  }
0x29: {  	s4 =	sld [smem:$0x3FA1]  }
0x2a: {  	p0 =	seq.s32 s5, $0x0;
	s5 =	sld [smem:$0x3FA2]  }
0x2b: {  	s6 =	sld [smem:$0x3FA3]  }
0x2c: {  	s7 =	sld [smem:$0x3FA4]  }
0x2d: {  	s3 =	simm.s32 $0x108;
	s8 =	sld [smem:$0x3FA5]  }
0x2e: {  	s3 =	simm.s32 @!p0 $0x1082;
	s9 =	sld [smem:$0x3FA6]  }
0x2f: {  	lr =	sadd.s32 s0, s3;
	s0 =	sld [smem:$0x3F9D]  }
0x30: {  	s3 =	sld [smem:$0x3FA0]  }
0x31: {  	[smem:$0x3FA9] =	sst s10  }
0x32: {  	s10 =	sld [smem:$0x3FA7];
	_ =	sdelay $0x3  }
0x33: {  	p0 =	seq.s32 s10, $0x1;
	s10 =	sld [smem:$0x3FA9];
	_ =	sdelay $0x3  }
0x34: {  	[smem:$0x3FA9] =	sst s10  }
0x35: {  	s10 =	sld [smem:$0x3FA8];
	_ =	sdelay $0x3  }
0x36: {  	p1 =	seq.s32 s10, $0x1;
	s10 =	sld [smem:$0x3FA9];
	_ =	sdelay $0x3  }
0x37: {  	[smem:$0x3FA9] =	sst s10  }
0x38: {  	s10 =	sld [smem:$0x3FAA]  }
0x39: {  	_ = 	snop;
	(pc) =	sbr.ind lr, $3  }
0x3a: {  	_ = 	snop  }
0x3b: {  	_ = 	snop  }
0x3c: {  	p2 =	seq.s32 s10, $0x1;
	s10 =	sld [smem:$0x3FA9]  }
0x3d: {  	_ =	shalt  }
0x3e: {  	_ =	shalt  }
0x3f: {  	_ =	shalt  }
0x40: {  	_ =	shalt  }
0x41: {  	_ =	shalt  }
0x42: {  	_ =	shalt  }
0x43: {  	_ =	shalt  }
0x44: {  	_ =	shalt  }
0x45: {  	_ =	shalt  }
0x46: {  	_ =	shalt  }
0x47: {  	_ =	shalt  }
0x48: {  	_ =	shalt  }
0x49: {  	_ =	shalt  }
0x4a: {  	_ =	shalt  }
0x4b: {  	_ =	shalt  }
0x4c: {  	_ =	shalt  }
0x4d: {  	_ =	shalt  }
0x4e: {  	_ =	shalt  }
0x4f: {  	_ =	shalt  }
0x50: {  	_ =	shalt  }
0x51: {  	_ =	shalt  }
0x52: {  	_ =	shalt  }
0x53: {  	_ =	shalt  }
0x54: {  	_ =	shalt  }
0x55: {  	_ =	shalt  }
0x56: {  	_ =	shalt  }
0x57: {  	_ =	shalt  }
0x58: {  	_ =	shalt  }
0x59: {  	_ =	shalt  }
0x5a: {  	_ =	shalt  }
0x5b: {  	_ =	shalt  }
0x5c: {  	_ =	shalt  }
0x5d: {  	_ =	shalt  }
0x5e: {  	_ =	shalt  }
0x5f: {  	_ =	shalt  }
0x60: {  	_ =	shalt  }
0x61: {  	_ =	shalt  }
0x62: {  	_ =	shalt  }
0x63: {  	_ =	shalt  }
0x64: {  	_ =	shalt  }
0x65: {  	_ =	shalt  }
0x66: {  	_ =	shalt  }
0x67: {  	_ =	shalt  }
0x68: {  	_ =	shalt  }
0x69: {  	_ =	shalt  }
0x6a: {  	_ =	shalt  }
0x6b: {  	_ =	shalt  }
0x6c: {  	_ =	shalt  }
0x6d: {  	_ =	shalt  }
0x6e: {  	_ =	shalt  }
0x6f: {  	_ =	shalt  }
0x70: {  	_ =	shalt  }
0x71: {  	_ =	shalt  }
0x72: {  	_ =	shalt  }
0x73: {  	_ =	shalt  }
0x74: {  	_ =	shalt  }
0x75: {  	_ =	shalt  }
0x76: {  	_ =	shalt  }
0x77: {  	_ =	shalt  }
0x78: {  	_ =	shalt  }
0x79: {  	_ =	shalt  }
0x7a: {  	_ =	shalt  }
0x7b: {  	_ =	shalt  }
0x7c: {  	_ =	shalt  }
0x7d: {  	_ =	shalt  }
0x7e: {  	_ =	shalt  }
0x7f: {  	_ =	shalt  }
0x80: {  	_ =	shalt  }
0x81: {  	_ =	shalt  }
0x82: {  	_ =	shalt  }
0x83: {  	_ =	shalt  }
0x84: {  	_ =	shalt  }
0x85: {  	_ =	shalt  }
0x86: {  	_ =	shalt  }
0x87: {  	_ =	shalt  }
.Lfunc_end0:
.L_simem_size_0:
called_computation.3_lowered:
.L_overlay_start_0:
0x88: {  	s2 =	sld [smem:$0x3FD9]  }
0x89: {  	s3 =	sld [smem:$0x3FFE];
	_ =	sdelay $0x1  }
0x8a: {  	s1 =	srdreg.scid  }
0x8b: {  	s0 =	sand.u32 $0x1, s1  }
0x8c: {  	s16 =	sshll.u32 s0, $0xA;
	s2 =	sadd.s32 s3, s2  }
0x8d: {  	s2 =	sadd.s32 s2, s16  }
0x8e: {  	[smem:$0x3FB5] =	sst s2  }
0x8f: {  	_ = 	snop  }
0x90: {  	(tm) =	ssettm $0x1  }
0x91: {  	s17 =	sld [smem:$0x3FFB];
	_ =	sdelay $0x3  }
0x92: {  	_ =	strace s17  }
0x93: {  	s2 =	sld [smem:$0x3FFC];
	_ =	sdelay $0x3  }
0x94: {  	_ =	strace s2  }
0x95: {  	s2 =	sld [smem:$0x3FFD];
	_ =	sdelay $0x3  }
0x96: {  	_ =	strace s2  }
0x97: {  	_ =	strace $0x8FFFFFFF  }
0x98: {  	s18 =	sld [smem:$0x3FDB];
	_ =	sdelay $0x1  }
0x99: {  	s19 =	simm.s32 $_scs_section_size  }
0x9a: {  	s4 =	simm.s32 $_size__tile_overlayer_lowered;
	s5 =	simm.s32 $_tile_overlayer_lowered  }
0x9b: {  	s22 =	simm.s32 $0x1BFF;
	s21 =	sshll.u32 s5, $0x1;
	s2 =	sadd.s32 s19, s18  }
0x9c: {  	s6 =	simm.s32 $0x0;
	s20 =	sshll.u32 s4, $0x1;
	s4 =	sadd.s32 s21, s2  }
0x9d: {  	[timem:s6], [sflag:s22] =	dma.local [hbm:s4], s20  }
0x9e: {  	_ =	swait.ge [sflag:s22], s20  }
0x9f: {  	s3 =	ssub.s32 $0x0, s20;
	[sflag:s22] =	ssyncset.done $0x0  }
0xa0: {  	[sflag:s22] =	ssyncadd.s32 s3;
	_ =	sdelay $0x1  }
0xa1: {  	s23 =	simm.s32 $0x1B8B  }
0xa2: {  	_ =	swait.ge [sflag:s23], $0x1  }
0xa3: {  	[sflag:s23] =	ssyncset.done $0x0  }
0xa4: {  	s25 =	simm.s32 $0x1B8E;
	s24 =	sld [smem:$0x3FFE];
	[sflag:s23] =	ssyncadd.s32 $0xFFFFFFFF  }
0xa5: {  	s26 =	simm.s32 $execute0_lowered;
	[smem:$0x3FD2] =	sst s25  }
0xa6: {  	s4 =	sshll.u32 s26, $0x1;
	_ =	strace $0x8000004F;
	[dreg:$0x1] =	wrdreg $0xFFFFFFFF  }
0xa7: {  	s28 =	simm.s32 $_size_execute0_lowered;
	s2 =	sadd.s32 s2, s4;
	[dreg:$0x0] =	wrdreg $0x0  }
0xa8: {  	s4 =	sshll.u32 s28, $0x1;
	[dreg:$0x2] =	wrdreg s2  }
0xa9: {  	[dreg:$0x3] =	wrdreg s4  }
0xaa: {  	[dreg:$0x4] =	wrdreg $0xC0  }
0xab: {  	_ =	task [dreg:s6], $0x5FFFF  }
0xac: {  	[dreg:$0x1] =	wrdreg $0xFFFFFFFF  }
0xad: {  	[dreg:$0x0] =	wrdreg $0x60  }
0xae: {  	[dreg:$0x2] =	wrdreg s24  }
0xaf: {  	[dreg:$0x3] =	wrdreg $0x41000  }
0xb0: {  	[dreg:$0x4] =	wrdreg $0x9  }
0xb1: {  	_ =	task.clear_ibuf [dreg:s6], $0x5FFFF;
	_ =	strace $0x9000004F  }
0xb2: {  	s29 =	simm.s32 $0x9;
	_ =	strace $0x80000051  }
0xb3: {  	_ =	swait.ge [sflag:s29], $0x1  }
0xb4: {  	[sflag:s29] =	ssyncadd.s32 $0xFFFFFFFF  }
0xb5: {  	_ =	strace $0x90000051  }
0xb6: {  	_ =	sfence  }
0xb7: {  	s30 =	sld [smem:$0x0];
	_ =	sdelay $0x2  }
0xb8: {  	s31 =	sshll.u32 s1, $0xD;
	s1 =	sshrl.u32 s1, $0x2  }
0xb9: {  	s3 =	sand.u32 $0x4000, s31;
	s1 =	sadd.s32 s1, s30  }
0xba: {  	s0 =	sor.u32 s3, s0;
	s1 =	sshll.u32 s1, $0x11  }
0xbb: {  	s0 =	sor.u32 s1, s0  }
0xbc: {  	s0 =	sadd.s32 $0x8F2B, s0  }
0xbd: {  	[sflag:s0] =	ssyncadd.remote.s32 $0x1  }
0xbe: {  	_ =	sfence.sel $0xFFFF  }
0xbf: {  	[dreg:$0x0] =	wrdreg $0xFFFFFFFF;
	(pc) =	sbr.abs _section_cstart, $3  }
0xc0: {  	[dreg:$0x1] =	wrdreg $0xFFFFFFFF  }
0xc1: {  	_ =	task.clear_ibuf [dreg:s6], $0x2FFFF;
	_ =	strace $0x9FFFFFFF  }
0xc2: {  	(tm) =	ssettm $0x7FFFFFFF  }
0xc3: {  	_ =	shalt  }
tec
execute0_lowered:
.L_overlay_start_1:
0x0: {  	(tag) =	ssettag $0x1  }
0x1: {  	s7 =	rddreg [dreg:$0x0];
	s0 =	srdreg.scid  }
0x2: {  	s2 =	rddreg [dreg:$0x1];
	s1 =	stileid.u32  }
0x3: {  	s3 =	simm.s32 $0x0;
	s15 =	simm.s32 $0x100;
	s16 =	simm.s32 $0x2  }
0x4: {  	s17 =	simm.s32 $0x80;
	s18 =	simm.s32 $0x1;
	s21 =	simm.s32 $0x0  }
0x5: {  	s8 =	sand.u32 $0x1, s0;
	s0 =	rddreg [dreg:$0x2];
	s6 =	smul.u32 $0x14000, s1  }
0x6: {  	[smem:$0x7FF] =	sst s3;
	s4 =	sadd.s32 $0xE800, s7;
	s10 =	smul.u32 $0x50000, s1  }
0x7: {  	s12 =	sshll.u32 s1, $0x1;
	s19 =	sshll.u32 s1, $0x6;
	s5 =	smul.u32 $0x140000, s8  }
0x8: {  	_ =	strace $0x80000050;
	s31 =	ssub.s32 $0x2, s8;
	s8 =	sor.u32 s8, s12  }
0x9: {  	s19 =	sor.u32 $0x1C02, s19;
	s11 =	sshrl.u32 s31, $0x1;
	s10 =	sshrl.u32 s10, $0x2  }
0xa: {  	s8 =	smul.u32 $0x2800, s8;
	s6 =	sadd.s32 s6, s5;
	s5 =	sadd.s32 $0x5E800, s7  }
0xb: {  	s11 =	ssub.s32 s31, s11;
	s9 =	sshrl.u32 s6, $0x3;
	s6 =	sadd.s32 $0x4800, s7  }
0xc: {  	s9 =	sadd.s32 s9, s7;
	s7 =	sadd.s32 s10, s2;
	s10 =	smax.u32 s11, $0x1  }
0xd: {  	s9 =	sadd.s32 $0x68800, s9;
	s11 =	sadd.s32 $0x4000, s7;
	s12 =	sadd.s32 $0x8000, s7  }
0xe: {  	v0 =	vimm.f32 $0.0e+00;
	s13 =	sadd.s32 $0xC000, s7;
	s14 =	sadd.s32 $0x10000, s7;
	s20 =	sshrl.u32 s7, $0x3  }
.LBB2_1:
0xf: {  	s22 =	simm.s32 $0x0;
	s23 =	simm.s32 $0x200  }
.LBB2_2:
0x10: {  	p0 =	sne.s32 s23, $0xFE00;
	[tilespmem:s22+$0x170] =	vst v0  }
0x11: {  	[tilespmem:s22+$0x100] =	vst v0  }
0x12: {  	[tilespmem:s22+$0x110] =	vst v0  }
.Ltmp0:
0x13: {  	[tilespmem:s22+$0x120] =	vst v0;
	(pc) =	sbr.rel @p0 .LBB2_2-.Ltmp0, $4  }
0x14: {  	[tilespmem:s22+$0x130] =	vst v0  }
0x15: {  	[tilespmem:s22+$0x140] =	vst v0  }
0x16: {  	[tilespmem:s22+$0x150] =	vst v0  }
0x17: {  	[tilespmem:s22+$0x160] =	vst v0;
	s22 =	sshra.s32 s23, $0x2;
	s23 =	sadd.s32 $0x200, s23  }
0x18: {  	[tilespmem:s22+$0x170] =	vst v0  }
0x19: {  	[tilespmem:s22+$0x100] =	vst v0  }
0x1a: {  	[tilespmem:s22+$0x110] =	vst v0  }
0x1b: {  	[tilespmem:s22+$0x120] =	vst v0  }
0x1c: {  	[tilespmem:s22+$0x130] =	vst v0  }
0x1d: {  	[tilespmem:s22+$0x140] =	vst v0  }
0x1e: {  	[tilespmem:s22+$0x150] =	vst v0  }
0x1f: {  	[tilespmem:s22+$0x160] =	vst v0  }
0x20: {  	[spmem:s7] =	stream.linear.scatter [tilespmem:s15], [sflag:$0x2], $0x4000, $0x38;
	[tilespmem:$0x18100] =	vst v63  }
0x21: {  	_ =	swait.ge [sflag:s16], $0x4000  }
0x22: {  	[sflag:s16] =	ssyncset.done $0x0  }
0x23: {  	[sflag:s16] =	ssyncadd.s32 $0xFFFFC000  }
0x24: {  	[spmem:s11] =	stream.linear.scatter [tilespmem:s15], [sflag:$0x2], $0x4000, $0x38;
	[tilespmem:$0x18100] =	vst v63  }
0x25: {  	_ =	swait.ge [sflag:s16], $0x4000  }
0x26: {  	[sflag:s16] =	ssyncset.done $0x0  }
0x27: {  	[sflag:s16] =	ssyncadd.s32 $0xFFFFC000  }
0x28: {  	[spmem:s12] =	stream.linear.scatter [tilespmem:s15], [sflag:$0x2], $0x4000, $0x38;
	[tilespmem:$0x18100] =	vst v63  }
0x29: {  	_ =	swait.ge [sflag:s16], $0x4000  }
0x2a: {  	[sflag:s16] =	ssyncset.done $0x0  }
0x2b: {  	[sflag:s16] =	ssyncadd.s32 $0xFFFFC000  }
0x2c: {  	[spmem:s13] =	stream.linear.scatter [tilespmem:s15], [sflag:$0x2], $0x4000, $0x38;
	[tilespmem:$0x18100] =	vst v63  }
0x2d: {  	_ =	swait.ge [sflag:s16], $0x4000  }
0x2e: {  	s28 =	simm.s32 $0x0;
	[sflag:s16] =	ssyncset.done $0x0  }
0x2f: {  	s23 =	sand.u32 $0x3C00, s28;
	[sflag:s16] =	ssyncadd.s32 $0xFFFFC000  }
0x30: {  	[spmem:s14] =	stream.linear.scatter [tilespmem:s15], [sflag:$0x2], $0x4000, $0x38;
	[tilespmem:$0x18100] =	vst v63  }
0x31: {  	s22 =	sand.u32 $0x380, s28;
	s23 =	sadd.s32 s8, s23;
	_ =	swait.ge [sflag:s16], $0x4000  }
0x32: {  	s22 =	sor.u32 s22, s23;
	[sflag:s16] =	ssyncset.done $0x0  }
0x33: {  	s22 =	sshrl.u32 s22, $0x3;
	[sflag:s16] =	ssyncadd.s32 $0xFFFFC000  }
0x34: {  	s29 =	sadd.s32 s5, s22;
	[bflag:$0x0] =	sbarrier.arrive $0xFFFF  }
0x35: {  	[tilespmem:s3], [sflag:$0x2] =	stream.linear.gather [hbm4b:s29+s3], $0x80, $0x38;
	[tilespmem:$0x18100] =	vst v63  }
0x36: {  	_ =	swait.ge [sflag:s16], $0x80  }
0x37: {  	[sflag:s16] =	ssyncset.done $0x0  }
0x38: {  	s22 =	sadd.s32 s6, s22;
	[sflag:s16] =	ssyncadd.s32 $0xFFFFFF80  }
0x39: {  	[tilespmem:s17], [sflag:$0x2] =	stream.linear.gather [hbm4b:s22+s3], $0x80, $0x38;
	[tilespmem:$0x18100] =	vst v63  }
0x3a: {  	_ =	swait.ge [sflag:s16], $0x80  }
0x3b: {  	[sflag:s16] =	ssyncset.done $0x0  }
0x3c: {  	[sflag:s16] =	ssyncadd.s32 $0xFFFFFF80  }
0x3d: {  	[tilespmem:s15], [sflag:$0x1] =	stream.indirect.gather [hbm4b:s4+s17], $0x80, s3, s17, $0xb8;
	[tilespmem:$0x18100] =	vst v63  }
0x3e: {  	_ =	swait.ge [sflag:s18], $0x4000  }
0x3f: {  	s30 =	simm.s32 $0x80;
	[sflag:s18] =	ssyncset.done $0x0  }
0x40: {  	s31 =	sand.u32 $0x3C00, s30;
	[sflag:s18] =	ssyncadd.s32 $0xFFFFC000  }
0x41: {  	[spmem:s2] =	stream.indirect.scatter.add.f32 [tilespmem:s15], [sflag:$0x2], $0x80, s17, s17, $0xb8;
	[tilespmem:$0x18100] =	vst v63  }
0x42: {  	s24 =	sand.u32 $0x380, s30;
	s23 =	sadd.s32 s8, s31;
	_ =	swait.ge [sflag:s16], $0x4000  }
0x43: {  	s23 =	sor.u32 s24, s23;
	s22 =	simm.s32 $0x100;
	[sflag:s16] =	ssyncset.done $0x0  }
.LBB2_4:
0x44: {  	s23 =	sshrl.u32 s23, $0x3  }
0x45: {  	[sflag:s16] =	ssyncadd.s32 $0xFFFFC000;
	s24 =	smov.u32 s22;
	s25 =	sadd.s32 $0x80, s22  }
0x46: {  	p0 =	sne.s32 s22, $0x2780;
	s22 =	sadd.s32 s5, s23  }
0x47: {  	[tilespmem:s3], [sflag:$0x2] =	stream.linear.gather [hbm4b:s22+s3], $0x80, $0x38;
	[tilespmem:$0x18100] =	vst v63  }
0x48: {  	_ =	swait.ge [sflag:s16], $0x80  }
0x49: {  	[sflag:s16] =	ssyncset.done $0x0  }
0x4a: {  	s22 =	sadd.s32 s6, s23;
	[sflag:s16] =	ssyncadd.s32 $0xFFFFFF80  }
0x4b: {  	[tilespmem:s17], [sflag:$0x2] =	stream.linear.gather [hbm4b:s22+s3], $0x80, $0x38;
	[tilespmem:$0x18100] =	vst v63  }
0x4c: {  	_ =	swait.ge [sflag:s16], $0x80  }
0x4d: {  	[sflag:s16] =	ssyncset.done $0x0  }
0x4e: {  	[sflag:s16] =	ssyncadd.s32 $0xFFFFFF80  }
0x4f: {  	[tilespmem:s15], [sflag:$0x1] =	stream.indirect.gather [hbm4b:s4+s17], $0x80, s3, s17, $0xb8;
	[tilespmem:$0x18100] =	vst v63  }
0x50: {  	_ =	swait.ge [sflag:s18], $0x4000  }
.Ltmp1:
0x51: {  	[sflag:s18] =	ssyncset.done $0x0;
	(pc) =	sbr.rel @p0 .LBB2_4-.Ltmp1, $4  }
0x52: {  	s22 =	sand.u32 $0x3C00, s24;
	[sflag:s18] =	ssyncadd.s32 $0xFFFFC000  }
0x53: {  	[spmem:s2] =	stream.indirect.scatter.add.f32 [tilespmem:s15], [sflag:$0x2], $0x80, s17, s17, $0xb8;
	[tilespmem:$0x18100] =	vst v63  }
0x54: {  	s23 =	sand.u32 $0x380, s24;
	s22 =	sadd.s32 s8, s22;
	_ =	swait.ge [sflag:s16], $0x4000  }
0x55: {  	s23 =	sor.u32 s23, s22;
	s22 =	smov.u32 s25;
	[sflag:s16] =	ssyncset.done $0x0  }
0x56: {  	s22 =	sshrl.u32 s23, $0x3  }
0x57: {  	[sflag:s16] =	ssyncadd.s32 $0xFFFFC000;
	s23 =	sadd.s32 s5, s22  }
0x58: {  	[tilespmem:s3], [sflag:$0x2] =	stream.linear.gather [hbm4b:s23+s3], $0x80, $0x38;
	[tilespmem:$0x18100] =	vst v63  }
0x59: {  	_ =	swait.ge [sflag:s16], $0x80  }
0x5a: {  	[sflag:s16] =	ssyncset.done $0x0  }
0x5b: {  	s22 =	sadd.s32 s6, s22;
	[sflag:s16] =	ssyncadd.s32 $0xFFFFFF80  }
0x5c: {  	[tilespmem:s17], [sflag:$0x2] =	stream.linear.gather [hbm4b:s22+s3], $0x80, $0x38;
	[tilespmem:$0x18100] =	vst v63  }
0x5d: {  	_ =	swait.ge [sflag:s16], $0x80  }
0x5e: {  	[sflag:s16] =	ssyncset.done $0x0  }
0x5f: {  	[sflag:s16] =	ssyncadd.s32 $0xFFFFFF80  }
0x60: {  	[tilespmem:s15], [sflag:$0x1] =	stream.indirect.gather [hbm4b:s4+s17], $0x80, s3, s17, $0xb8;
	[tilespmem:$0x18100] =	vst v63  }
0x61: {  	_ =	swait.ge [sflag:s18], $0x4000  }
0x62: {  	[sflag:s18] =	ssyncset.done $0x0  }
0x63: {  	[sflag:s18] =	ssyncadd.s32 $0xFFFFC000  }
0x64: {  	[spmem:s2] =	stream.indirect.scatter.add.f32 [tilespmem:s15], [sflag:$0x2], $0x80, s17, s17, $0xb8;
	[tilespmem:$0x18100] =	vst v63  }
0x65: {  	_ =	swait.ge [sflag:s16], $0x4000  }
0x66: {  	s21 =	sadd.s32 $0x1, s21;
	[sflag:s16] =	ssyncset.done $0x0  }
0x67: {  	p0 =	sne.s32 s21, s10;
	[sflag:s16] =	ssyncadd.s32 $0xFFFFC000  }
.Ltmp2:
0x68: {  	[bflag:$0x0] =	sbarrier.arrive $0xFFFF;
	(pc) =	sbr.rel @p0 .LBB2_1-.Ltmp2, $4  }
0x69: {  	[hbm:s9], [sflag:s19] =	dma.local [spmem:s20], $0x2800  }
0x6a: {  	_ =	swait.ge [sflag:s16], $0x2800  }
0x6b: {  	[sflag:s16] =	ssyncset.done $0x0  }
0x6c: {  	[sflag:s16] =	ssyncadd.s32 $0xFFFFD800  }
0x6d: {  	_ =	sfence.sel $0x180000  }
0x6e: {  	[bflag:$0x0] =	sbarrier.arrive $0xFFFF  }
0x6f: {  	p0 =	sne.s32 s1, $0x0;
	_ =	strace $0x90000050  }
0x70: {  	s0 =	sadd.s32 @!p0 $0x100000, s0;
	[bflag:$0x2] =	sbarrier.arrive $0xFFFF  }
0x71: {  	[sflag:s0] =	ssyncadd.tile.s32 @!p0 $0x1;
	_ =	shalt  }
.Lfunc_end2:
_tile_overlayer_lowered:
.L_overlay_start_2:
0x72: {  	(tag) =	ssettag $0x2  }
0x73: {  	s0 =	rddreg [dreg:$0x0];
	s2 =	stileid.u32  }
0x74: {  	s1 =	rddreg [dreg:$0x1];
	p0 =	sne.s32 s2, $0x0  }
0x75: {  	s3 =	rddreg [dreg:$0x2];
	[bflag:$0x3] =	sbarrier.arrive $0xFFFF;
	s2 =	simm.s32 @!p0 $0x1C02  }
0x76: {  	[timem:s3], [sflag:s2] =	dma.local @!p0 [hbm:s0], s1  }
0x77: {  	s0 =	simm.s32 @!p0 $0x2  }
0x78: {  	_ =	swait.ge @!p0 [sflag:s0], s1  }
0x79: {  	s1 =	ssub.s32 @!p0 $0x0, s1;
	[sflag:s0] =	ssyncset.done @!p0 $0x0  }
0x7a: {  	[sflag:s0] =	ssyncadd.s32 @!p0 s1  }
0x7b: {  	[bflag:$0x3] =	sbarrier.arrive $0xFFFF  }
0x7c: {  	_ =	shalt  }

</sc_bundles>
